<compile_context>
chip_gen: v7x
topology: tpu7x:2x2x1
jax: 0.10.2.dev20260603
libtpu: 0.0.44.dev20260713+nightly
codegen_flags: <defaults>
</compile_context>

<pallas_src>
import functools

import jax
import jax.numpy as jnp
from jax import lax
from jax.experimental import pallas as pl
from jax.experimental.pallas import tpu as pltpu
from jax.experimental.pallas import tpu_sc as plsc

DEPTH = 5
PAD = 64

NUM_CORES = 1
NUM_SUBCORES = 16
LANES = 16
NUM_WORKERS = NUM_CORES * NUM_SUBCORES


def _make_kernel(batch, n_feat, n_nodes):
    rows_per_worker = batch // NUM_WORKERS
    vregs_per_worker = rows_per_worker // LANES

    mesh = plsc.VectorSubcoreMesh(
        core_axis_name="c",
        subcore_axis_name="s",
        num_cores=NUM_CORES,
        num_subcores=NUM_SUBCORES,
    )

    @functools.partial(
        pl.kernel,
        out_type=jax.ShapeDtypeStruct((batch,), jnp.float32),
        mesh=mesh,
        compiler_params=pltpu.CompilerParams(needs_layout_passes=False),
        scratch_types=[
            pltpu.VMEM((5 * PAD,), jnp.int32),
            pltpu.VMEM((2 * PAD,), jnp.float32),
            pltpu.VMEM((rows_per_worker * n_feat,), jnp.float32),
            pltpu.VMEM((rows_per_worker,), jnp.float32),
            pltpu.SemaphoreType.DMA,
            pltpu.SemaphoreType.DMA,
        ],
    )
    def tree_kernel(cl_hbm, cr_hbm, f_hbm, thr_hbm, val_hbm, x_hbm, out_hbm,
                    tab_i, tab_f, x_v, out_v, sem_x, sem_tab):
        wid = lax.axis_index("s") * NUM_CORES + lax.axis_index("c")
        base = wid * rows_per_worker

        x_copy = pltpu.async_copy(
            x_hbm.at[pl.ds(base * n_feat, rows_per_worker * n_feat)],
            x_v,
            sem_x,
        )
        tab_copies = [
            pltpu.async_copy(cl_hbm, tab_i.at[pl.ds(PAD, n_nodes)], sem_tab),
            pltpu.async_copy(cr_hbm, tab_i.at[pl.ds(2 * PAD, n_nodes)], sem_tab),
            pltpu.async_copy(f_hbm, tab_i.at[pl.ds(3 * PAD, n_nodes)], sem_tab),
            pltpu.async_copy(val_hbm, tab_f.at[pl.ds(0, n_nodes)], sem_tab),
            pltpu.async_copy(thr_hbm, tab_f.at[pl.ds(PAD, n_nodes)], sem_tab),
        ]
        for c in tab_copies:
            c.wait()

        for g in range(PAD // LANES):
            cl_g = tab_i[pl.ds(PAD + g * LANES, LANES)]
            cr_g = tab_i[pl.ds(2 * PAD + g * LANES, LANES)]
            tab_i[pl.ds(4 * PAD + g * LANES, LANES)] = (
                cl_g & 0xFFFF
            ) | lax.shift_left(cr_g, 16)
        x_copy.wait()

        lanes = lax.iota(jnp.int32, LANES)
        for j in range(vregs_per_worker):
            rows = lanes + (j * LANES)
            node = lanes * 0
            for _ in range(DEPTH):
                pk = plsc.load_gather(tab_i, [node + 4 * PAD])
                f = plsc.load_gather(tab_i, [node + 3 * PAD])
                thr = plsc.load_gather(tab_f, [node + PAD])
                cl = lax.shift_right_arithmetic(lax.shift_left(pk, 16), 16)
                cr = lax.shift_right_arithmetic(pk, 16)
                fc = jnp.clip(f, 0, n_feat - 1)
                xf = plsc.load_gather(x_v, [rows * n_feat + fc])
                is_leaf = pk == -1
                nxt = jnp.where(xf <= thr, cl, cr)
                node = jnp.where(is_leaf, node, nxt)
            out_v[pl.ds(j * LANES, LANES)] = plsc.load_gather(tab_f, [node])
        pltpu.sync_copy(out_v, out_hbm.at[pl.ds(base, rows_per_worker)])

    return tree_kernel


def kernel(X, children_left, children_right, feature, threshold, value):
    batch, n_feat = X.shape
    n_nodes = children_left.shape[0]
    out = _make_kernel(batch, n_feat, n_nodes)(
        children_left,
        children_right,
        feature,
        threshold,
        value.reshape(-1),
        X.reshape(-1),
    )
    return out.reshape(batch, 1)

# --- scband reference (transcript-rebuilt; emitter-appended) ---
"""Pipeline reference for scband-decision-tree-ts-14628658610622 (READ-ONLY COPY).

The authoritative reference and input builder live on the scoring server;
editing this copy changes nothing except your own understanding.
"""

import jax, jax.numpy as jnp
import numpy as np

DEPTH = 5
N_NODES = 63
N_INTERNAL = 31
N_FEAT = 32
BATCH = 1024

def _tree():
    cl = np.full(N_NODES, -1, dtype=np.int32)
    cr = np.full(N_NODES, -1, dtype=np.int32)
    feat = np.full(N_NODES, -2, dtype=np.int32)
    thr = np.full(N_NODES, -2.0, dtype=np.float32)
    for i in range(N_INTERNAL):
        cl[i] = 2 * i + 1
        cr[i] = 2 * i + 2
        feat[i] = i % N_FEAT
        thr[i] = 0.0
    val = np.arange(N_NODES, dtype=np.float32).reshape(N_NODES, 1)
    return cl, cr, feat, thr, val

def setup_inputs(seed: int = 0) -> dict:
    key = jax.random.key(seed)
    X = jax.random.normal(key, (BATCH, N_FEAT), dtype=jnp.float32)
    cl, cr, feat, thr, val = _tree()
    return {
        "X": X,
        "children_left": jnp.asarray(cl),
        "children_right": jnp.asarray(cr),
        "feature": jnp.asarray(feat),
        "threshold": jnp.asarray(thr),
        "value": jnp.asarray(val),
    }

def reference(X, children_left, children_right, feature, threshold, value):
    # Vectorized, faithful translation of the per-sample while-loop:
    # each sample walks from the root; at a leaf (both children == -1) it
    # stays put; regression task returns value[node] at the end.
    N = X.shape[0]
    node = jnp.zeros((N,), dtype=jnp.int32)
    rows = jnp.arange(N)
    for _ in range(DEPTH):
        cl = children_left[node]
        cr = children_right[node]
        f = feature[node]
        thr = threshold[node]
        is_leaf = (cl == -1) & (cr == -1)
        xf = X[rows, jnp.clip(f, 0, X.shape[1] - 1)]
        nxt = jnp.where(xf <= thr, cl, cr)
        node = jnp.where(is_leaf, node, nxt)
    return value[node]

if __name__ == "__main__":
    import jax
    _d = setup_inputs()
    print(jax.jit(kernel)(*tuple(_d.values())))

</pallas_src>

<mosaic_0001>
#map = affine_map<(d0, d1) -> (0)>
module attributes {stable_mosaic.version = 14 : i64} {
  func.func @tree_kernel(%arg0: i32, %arg1: i32, %arg2: memref<63xi32, #tpu.memory_space<hbm>>, %arg3: memref<63xi32, #tpu.memory_space<hbm>>, %arg4: memref<63xi32, #tpu.memory_space<hbm>>, %arg5: memref<63xf32, #tpu.memory_space<hbm>>, %arg6: memref<63xf32, #tpu.memory_space<hbm>>, %arg7: memref<32768xf32, #tpu.memory_space<hbm>>, %arg8: memref<1024xf32, #tpu.memory_space<hbm>>, %arg9: memref<320xi32, #tpu.memory_space<vmem>>, %arg10: memref<128xf32, #tpu.memory_space<vmem>>, %arg11: memref<2048xf32, #tpu.memory_space<vmem>>, %arg12: memref<64xf32, #tpu.memory_space<vmem>>, %arg13: memref<!tpu.dma_semaphore, #tpu.memory_space<semaphore_mem>>, %arg14: memref<!tpu.dma_semaphore, #tpu.memory_space<semaphore_mem>>) attributes {dimension_semantics = [#tpu.dimension_semantics<core_parallel>, #tpu.dimension_semantics<subcore_parallel>], iteration_bounds = array<i64: 1, 16>, scalar_prefetch = 0 : i64, scratch_operands = 6 : i64, tpu.core_type = #tpu.core_type<sc_vector_subcore>, window_params = [{transform_indices = #map}, {transform_indices = #map}, {transform_indices = #map}, {transform_indices = #map}, {transform_indices = #map}, {transform_indices = #map}, {transform_indices = #map}]} {
    %mul3A = arith.constant 1 : i32
    %mul3A_0 = arith.muli %arg1, %mul3A : i32
    %add3A = arith.addi %mul3A_0, %arg0 : i32
    %mul3A_1 = arith.constant 64 : i32
    %mul3A_2 = arith.muli %add3A, %mul3A_1 : i32
    %mul3A_3 = arith.constant 32 : i32
    %mul3A_4 = arith.muli %mul3A_2, %mul3A_3 : i32
    %dma_start3A = tpu.memref_slice %arg7[%mul3A_4] : memref<32768xf32, #tpu.memory_space<hbm>> -> memref<2048xf32, #tpu.memory_space<hbm>>
    %dma_start3A_5 = tpu.memref_slice %arg7[%mul3A_4] : memref<32768xf32, #tpu.memory_space<hbm>> -> memref<2048xf32, #tpu.memory_space<hbm>>
    tpu.enqueue_dma source(%dma_start3A_5 : memref<2048xf32, #tpu.memory_space<hbm>>) target(%arg11 : memref<2048xf32, #tpu.memory_space<vmem>>) target_semaphore(%arg13 : memref<!tpu.dma_semaphore, #tpu.memory_space<semaphore_mem>>)
    %dma_start3A_6 = arith.constant 64 : i32
    %dma_start3A_7 = tpu.memref_slice %arg9[%dma_start3A_6] : memref<320xi32, #tpu.memory_space<vmem>> -> memref<63xi32, #tpu.memory_space<vmem>>
    %dma_start3A_8 = arith.constant 64 : i32
    %dma_start3A_9 = tpu.memref_slice %arg9[%dma_start3A_8] : memref<320xi32, #tpu.memory_space<vmem>> -> memref<63xi32, #tpu.memory_space<vmem>>
    tpu.enqueue_dma source(%arg2 : memref<63xi32, #tpu.memory_space<hbm>>) target(%dma_start3A_9 : memref<63xi32, #tpu.memory_space<vmem>>) target_semaphore(%arg14 : memref<!tpu.dma_semaphore, #tpu.memory_space<semaphore_mem>>)
    %dma_start3A_10 = arith.constant 128 : i32
    %dma_start3A_11 = tpu.memref_slice %arg9[%dma_start3A_10] : memref<320xi32, #tpu.memory_space<vmem>> -> memref<63xi32, #tpu.memory_space<vmem>>
    %dma_start3A_12 = arith.constant 128 : i32
    %dma_start3A_13 = tpu.memref_slice %arg9[%dma_start3A_12] : memref<320xi32, #tpu.memory_space<vmem>> -> memref<63xi32, #tpu.memory_space<vmem>>
    tpu.enqueue_dma source(%arg3 : memref<63xi32, #tpu.memory_space<hbm>>) target(%dma_start3A_13 : memref<63xi32, #tpu.memory_space<vmem>>) target_semaphore(%arg14 : memref<!tpu.dma_semaphore, #tpu.memory_space<semaphore_mem>>)
    %dma_start3A_14 = arith.constant 192 : i32
    %dma_start3A_15 = tpu.memref_slice %arg9[%dma_start3A_14] : memref<320xi32, #tpu.memory_space<vmem>> -> memref<63xi32, #tpu.memory_space<vmem>>
    %dma_start3A_16 = arith.constant 192 : i32
    %dma_start3A_17 = tpu.memref_slice %arg9[%dma_start3A_16] : memref<320xi32, #tpu.memory_space<vmem>> -> memref<63xi32, #tpu.memory_space<vmem>>
    tpu.enqueue_dma source(%arg4 : memref<63xi32, #tpu.memory_space<hbm>>) target(%dma_start3A_17 : memref<63xi32, #tpu.memory_space<vmem>>) target_semaphore(%arg14 : memref<!tpu.dma_semaphore, #tpu.memory_space<semaphore_mem>>)
    %dma_start3A_18 = arith.constant 0 : i32
    %dma_start3A_19 = tpu.memref_slice %arg10[%dma_start3A_18] : memref<128xf32, #tpu.memory_space<vmem>> -> memref<63xf32, #tpu.memory_space<vmem>>
    %dma_start3A_20 = arith.constant 0 : i32
    %dma_start3A_21 = tpu.memref_slice %arg10[%dma_start3A_20] : memref<128xf32, #tpu.memory_space<vmem>> -> memref<63xf32, #tpu.memory_space<vmem>>
    tpu.enqueue_dma source(%arg6 : memref<63xf32, #tpu.memory_space<hbm>>) target(%dma_start3A_21 : memref<63xf32, #tpu.memory_space<vmem>>) target_semaphore(%arg14 : memref<!tpu.dma_semaphore, #tpu.memory_space<semaphore_mem>>)
    %dma_start3A_22 = arith.constant 64 : i32
    %dma_start3A_23 = tpu.memref_slice %arg10[%dma_start3A_22] : memref<128xf32, #tpu.memory_space<vmem>> -> memref<63xf32, #tpu.memory_space<vmem>>
    %dma_start3A_24 = arith.constant 64 : i32
    %dma_start3A_25 = tpu.memref_slice %arg10[%dma_start3A_24] : memref<128xf32, #tpu.memory_space<vmem>> -> memref<63xf32, #tpu.memory_space<vmem>>
    tpu.enqueue_dma source(%arg5 : memref<63xf32, #tpu.memory_space<hbm>>) target(%dma_start3A_25 : memref<63xf32, #tpu.memory_space<vmem>>) target_semaphore(%arg14 : memref<!tpu.dma_semaphore, #tpu.memory_space<semaphore_mem>>)
    %dma_wait3A = arith.constant 64 : i32
    %dma_wait3A_26 = tpu.memref_slice %arg9[%dma_wait3A] : memref<320xi32, #tpu.memory_space<vmem>> -> memref<63xi32, #tpu.memory_space<vmem>>
    %dma_wait3A_27 = arith.constant 64 : i32
    %dma_wait3A_28 = tpu.memref_slice %arg9[%dma_wait3A_27] : memref<320xi32, #tpu.memory_space<vmem>> -> memref<63xi32, #tpu.memory_space<vmem>>
    tpu.wait_dma2 semaphore(%arg14 : memref<!tpu.dma_semaphore, #tpu.memory_space<semaphore_mem>>) src(%arg2 : memref<63xi32, #tpu.memory_space<hbm>>) dst(%dma_wait3A_28 : memref<63xi32, #tpu.memory_space<vmem>>)
    %dma_wait3A_29 = arith.constant 128 : i32
    %dma_wait3A_30 = tpu.memref_slice %arg9[%dma_wait3A_29] : memref<320xi32, #tpu.memory_space<vmem>> -> memref<63xi32, #tpu.memory_space<vmem>>
    %dma_wait3A_31 = arith.constant 128 : i32
    %dma_wait3A_32 = tpu.memref_slice %arg9[%dma_wait3A_31] : memref<320xi32, #tpu.memory_space<vmem>> -> memref<63xi32, #tpu.memory_space<vmem>>
    tpu.wait_dma2 semaphore(%arg14 : memref<!tpu.dma_semaphore, #tpu.memory_space<semaphore_mem>>) src(%arg3 : memref<63xi32, #tpu.memory_space<hbm>>) dst(%dma_wait3A_32 : memref<63xi32, #tpu.memory_space<vmem>>)
    %dma_wait3A_33 = arith.constant 192 : i32
    %dma_wait3A_34 = tpu.memref_slice %arg9[%dma_wait3A_33] : memref<320xi32, #tpu.memory_space<vmem>> -> memref<63xi32, #tpu.memory_space<vmem>>
    %dma_wait3A_35 = arith.constant 192 : i32
    %dma_wait3A_36 = tpu.memref_slice %arg9[%dma_wait3A_35] : memref<320xi32, #tpu.memory_space<vmem>> -> memref<63xi32, #tpu.memory_space<vmem>>
    tpu.wait_dma2 semaphore(%arg14 : memref<!tpu.dma_semaphore, #tpu.memory_space<semaphore_mem>>) src(%arg4 : memref<63xi32, #tpu.memory_space<hbm>>) dst(%dma_wait3A_36 : memref<63xi32, #tpu.memory_space<vmem>>)
    %dma_wait3A_37 = arith.constant 0 : i32
    %dma_wait3A_38 = tpu.memref_slice %arg10[%dma_wait3A_37] : memref<128xf32, #tpu.memory_space<vmem>> -> memref<63xf32, #tpu.memory_space<vmem>>
    %dma_wait3A_39 = arith.constant 0 : i32
    %dma_wait3A_40 = tpu.memref_slice %arg10[%dma_wait3A_39] : memref<128xf32, #tpu.memory_space<vmem>> -> memref<63xf32, #tpu.memory_space<vmem>>
    tpu.wait_dma2 semaphore(%arg14 : memref<!tpu.dma_semaphore, #tpu.memory_space<semaphore_mem>>) src(%arg6 : memref<63xf32, #tpu.memory_space<hbm>>) dst(%dma_wait3A_40 : memref<63xf32, #tpu.memory_space<vmem>>)
    %dma_wait3A_41 = arith.constant 64 : i32
    %dma_wait3A_42 = tpu.memref_slice %arg10[%dma_wait3A_41] : memref<128xf32, #tpu.memory_space<vmem>> -> memref<63xf32, #tpu.memory_space<vmem>>
    %dma_wait3A_43 = arith.constant 64 : i32
    %dma_wait3A_44 = tpu.memref_slice %arg10[%dma_wait3A_43] : memref<128xf32, #tpu.memory_space<vmem>> -> memref<63xf32, #tpu.memory_space<vmem>>
    tpu.wait_dma2 semaphore(%arg14 : memref<!tpu.dma_semaphore, #tpu.memory_space<semaphore_mem>>) src(%arg5 : memref<63xf32, #tpu.memory_space<hbm>>) dst(%dma_wait3A_44 : memref<63xf32, #tpu.memory_space<vmem>>)
    %get3A = arith.constant 64 : index
    %get3A_45 = tpu.vector_load %arg9[%get3A] {strides = array<i32>} : memref<320xi32, #tpu.memory_space<vmem>>, vector<16xi32>,
    %get3A_46 = arith.constant 128 : index
    %get3A_47 = tpu.vector_load %arg9[%get3A_46] {strides = array<i32>} : memref<320xi32, #tpu.memory_space<vmem>>, vector<16xi32>,
    %and3A = arith.constant 65535 : i32
    %and3A_48 = vector.broadcast %and3A : i32 to vector<16xi32>
    %and3A_49 = arith.andi %get3A_45, %and3A_48 : vector<16xi32>
    %shift_left3A = arith.constant 16 : i32
    %shift_left3A_50 = vector.broadcast %shift_left3A : i32 to vector<16xi32>
    %shift_left3A_51 = arith.shli %get3A_47, %shift_left3A_50 : vector<16xi32>
    %or3A = arith.ori %and3A_49, %shift_left3A_51 : vector<16xi32>
    %swap3A = arith.constant 256 : index
    %swap3A_52 = tpu.vector_load %arg9[%swap3A] {strides = array<i32>} : memref<320xi32, #tpu.memory_space<vmem>>, vector<16xi32>,
    tpu.vector_store %arg9[%swap3A], %or3A {strides = array<i32>} : memref<320xi32, #tpu.memory_space<vmem>>, vector<16xi32>,
    %get3A_53 = arith.constant 80 : index
    %get3A_54 = tpu.vector_load %arg9[%get3A_53] {strides = array<i32>} : memref<320xi32, #tpu.memory_space<vmem>>, vector<16xi32>,
    %get3A_55 = arith.constant 144 : index
    %get3A_56 = tpu.vector_load %arg9[%get3A_55] {strides = array<i32>} : memref<320xi32, #tpu.memory_space<vmem>>, vector<16xi32>,
    %and3A_57 = arith.constant 65535 : i32
    %and3A_58 = vector.broadcast %and3A_57 : i32 to vector<16xi32>
    %and3A_59 = arith.andi %get3A_54, %and3A_58 : vector<16xi32>
    %shift_left3A_60 = arith.constant 16 : i32
    %shift_left3A_61 = vector.broadcast %shift_left3A_60 : i32 to vector<16xi32>
    %shift_left3A_62 = arith.shli %get3A_56, %shift_left3A_61 : vector<16xi32>
    %or3A_63 = arith.ori %and3A_59, %shift_left3A_62 : vector<16xi32>
    %swap3A_64 = arith.constant 272 : index
    %swap3A_65 = tpu.vector_load %arg9[%swap3A_64] {strides = array<i32>} : memref<320xi32, #tpu.memory_space<vmem>>, vector<16xi32>,
    tpu.vector_store %arg9[%swap3A_64], %or3A_63 {strides = array<i32>} : memref<320xi32, #tpu.memory_space<vmem>>, vector<16xi32>,
    %get3A_66 = arith.constant 96 : index
    %get3A_67 = tpu.vector_load %arg9[%get3A_66] {strides = array<i32>} : memref<320xi32, #tpu.memory_space<vmem>>, vector<16xi32>,
    %get3A_68 = arith.constant 160 : index
    %get3A_69 = tpu.vector_load %arg9[%get3A_68] {strides = array<i32>} : memref<320xi32, #tpu.memory_space<vmem>>, vector<16xi32>,
    %and3A_70 = arith.constant 65535 : i32
    %and3A_71 = vector.broadcast %and3A_70 : i32 to vector<16xi32>
    %and3A_72 = arith.andi %get3A_67, %and3A_71 : vector<16xi32>
    %shift_left3A_73 = arith.constant 16 : i32
    %shift_left3A_74 = vector.broadcast %shift_left3A_73 : i32 to vector<16xi32>
    %shift_left3A_75 = arith.shli %get3A_69, %shift_left3A_74 : vector<16xi32>
    %or3A_76 = arith.ori %and3A_72, %shift_left3A_75 : vector<16xi32>
    %swap3A_77 = arith.constant 288 : index
    %swap3A_78 = tpu.vector_load %arg9[%swap3A_77] {strides = array<i32>} : memref<320xi32, #tpu.memory_space<vmem>>, vector<16xi32>,
    tpu.vector_store %arg9[%swap3A_77], %or3A_76 {strides = array<i32>} : memref<320xi32, #tpu.memory_space<vmem>>, vector<16xi32>,
    %get3A_79 = arith.constant 112 : index
    %get3A_80 = tpu.vector_load %arg9[%get3A_79] {strides = array<i32>} : memref<320xi32, #tpu.memory_space<vmem>>, vector<16xi32>,
    %get3A_81 = arith.constant 176 : index
    %get3A_82 = tpu.vector_load %arg9[%get3A_81] {strides = array<i32>} : memref<320xi32, #tpu.memory_space<vmem>>, vector<16xi32>,
    %and3A_83 = arith.constant 65535 : i32
    %and3A_84 = vector.broadcast %and3A_83 : i32 to vector<16xi32>
    %and3A_85 = arith.andi %get3A_80, %and3A_84 : vector<16xi32>
    %shift_left3A_86 = arith.constant 16 : i32
    %shift_left3A_87 = vector.broadcast %shift_left3A_86 : i32 to vector<16xi32>
    %shift_left3A_88 = arith.shli %get3A_82, %shift_left3A_87 : vector<16xi32>
    %or3A_89 = arith.ori %and3A_85, %shift_left3A_88 : vector<16xi32>
    %swap3A_90 = arith.constant 304 : index
    %swap3A_91 = tpu.vector_load %arg9[%swap3A_90] {strides = array<i32>} : memref<320xi32, #tpu.memory_space<vmem>>, vector<16xi32>,
    tpu.vector_store %arg9[%swap3A_90], %or3A_89 {strides = array<i32>} : memref<320xi32, #tpu.memory_space<vmem>>, vector<16xi32>,
    %dma_wait3A_92 = tpu.memref_slice %arg7[%mul3A_4] : memref<32768xf32, #tpu.memory_space<hbm>> -> memref<2048xf32, #tpu.memory_space<hbm>>
    %dma_wait3A_93 = tpu.memref_slice %arg7[%mul3A_4] : memref<32768xf32, #tpu.memory_space<hbm>> -> memref<2048xf32, #tpu.memory_space<hbm>>
    tpu.wait_dma2 semaphore(%arg13 : memref<!tpu.dma_semaphore, #tpu.memory_space<semaphore_mem>>) src(%dma_wait3A_93 : memref<2048xf32, #tpu.memory_space<hbm>>) dst(%arg11 : memref<2048xf32, #tpu.memory_space<vmem>>)
    %iota3A = tpu.iota {dimensions = array<i32: 0>} : vector<16xi32>
    %add3A_94 = arith.constant 0 : i32
    %add3A_95 = vector.broadcast %add3A_94 : i32 to vector<16xi32>
    %add3A_96 = arith.addi %iota3A, %add3A_95 : vector<16xi32>
    %mul3A_97 = arith.constant 0 : i32
    %mul3A_98 = vector.broadcast %mul3A_97 : i32 to vector<16xi32>
    %mul3A_99 = arith.muli %iota3A, %mul3A_98 : vector<16xi32>
    %add3A_100 = arith.constant 256 : i32
    %add3A_101 = vector.broadcast %add3A_100 : i32 to vector<16xi32>
    %add3A_102 = arith.addi %mul3A_99, %add3A_101 : vector<16xi32>
    %gather3A = tpu.vector_load_idx %arg9[%add3A_102] : memref<320xi32, #tpu.memory_space<vmem>>[vector<16xi32>], vector<16xi32>,
    %add3A_103 = arith.constant 192 : i32
    %add3A_104 = vector.broadcast %add3A_103 : i32 to vector<16xi32>
    %add3A_105 = arith.addi %mul3A_99, %add3A_104 : vector<16xi32>
    %gather3A_106 = tpu.vector_load_idx %arg9[%add3A_105] : memref<320xi32, #tpu.memory_space<vmem>>[vector<16xi32>], vector<16xi32>,
    %add3A_107 = arith.constant 64 : i32
    %add3A_108 = vector.broadcast %add3A_107 : i32 to vector<16xi32>
    %add3A_109 = arith.addi %mul3A_99, %add3A_108 : vector<16xi32>
    %gather3A_110 = tpu.vector_load_idx %arg10[%add3A_109] : memref<128xf32, #tpu.memory_space<vmem>>[vector<16xi32>], vector<16xf32>,
    %shift_left3A_111 = arith.constant 16 : i32
    %shift_left3A_112 = vector.broadcast %shift_left3A_111 : i32 to vector<16xi32>
    %shift_left3A_113 = arith.shli %gather3A, %shift_left3A_112 : vector<16xi32>
    %shift_right_arithmetic3A = arith.constant 16 : i32
    %shift_right_arithmetic3A_114 = vector.broadcast %shift_right_arithmetic3A : i32 to vector<16xi32>
    %shift_right_arithmetic3A_115 = arith.shrsi %shift_left3A_113, %shift_right_arithmetic3A_114 : vector<16xi32>
    %shift_right_arithmetic3A_116 = arith.constant 16 : i32
    %shift_right_arithmetic3A_117 = vector.broadcast %shift_right_arithmetic3A_116 : i32 to vector<16xi32>
    %shift_right_arithmetic3A_118 = arith.shrsi %gather3A, %shift_right_arithmetic3A_117 : vector<16xi32>
    %jit3A = arith.constant 0 : i32
    %jit3A_119 = arith.constant 31 : i32
    %max3A = vector.broadcast %jit3A : i32 to vector<16xi32>
    %max3A_120 = arith.maxsi %max3A, %gather3A_106 : vector<16xi32>
    %min3A = vector.broadcast %jit3A_119 : i32 to vector<16xi32>
    %min3A_121 = arith.minsi %min3A, %max3A_120 : vector<16xi32>
    %mul3A_122 = arith.constant 32 : i32
    %mul3A_123 = vector.broadcast %mul3A_122 : i32 to vector<16xi32>
    %mul3A_124 = arith.muli %add3A_96, %mul3A_123 : vector<16xi32>
    %add3A_125 = arith.addi %mul3A_124, %min3A_121 : vector<16xi32>
    %gather3A_126 = tpu.vector_load_idx %arg11[%add3A_125] : memref<2048xf32, #tpu.memory_space<vmem>>[vector<16xi32>], vector<16xf32>,
    %eq3A = arith.constant -1 : i32
    %eq3A_127 = vector.broadcast %eq3A : i32 to vector<16xi32>
    %eq3A_128 = arith.cmpi eq, %gather3A, %eq3A_127 : vector<16xi32>
    %le3A = arith.cmpf ole, %gather3A_126, %gather3A_110 : vector<16xf32>
    %select_n3A = arith.select %le3A, %shift_right_arithmetic3A_115, %shift_right_arithmetic3A_118 : vector<16xi1>, vector<16xi32>
    %select_n3A_129 = arith.select %eq3A_128, %mul3A_99, %select_n3A : vector<16xi1>, vector<16xi32>
    %add3A_130 = arith.constant 256 : i32
    %add3A_131 = vector.broadcast %add3A_130 : i32 to vector<16xi32>
    %add3A_132 = arith.addi %select_n3A_129, %add3A_131 : vector<16xi32>
    %gather3A_133 = tpu.vector_load_idx %arg9[%add3A_132] : memref<320xi32, #tpu.memory_space<vmem>>[vector<16xi32>], vector<16xi32>,
    %add3A_134 = arith.constant 192 : i32
    %add3A_135 = vector.broadcast %add3A_134 : i32 to vector<16xi32>
    %add3A_136 = arith.addi %select_n3A_129, %add3A_135 : vector<16xi32>
    %gather3A_137 = tpu.vector_load_idx %arg9[%add3A_136] : memref<320xi32, #tpu.memory_space<vmem>>[vector<16xi32>], vector<16xi32>,
    %add3A_138 = arith.constant 64 : i32
    %add3A_139 = vector.broadcast %add3A_138 : i32 to vector<16xi32>
    %add3A_140 = arith.addi %select_n3A_129, %add3A_139 : vector<16xi32>
    %gather3A_141 = tpu.vector_load_idx %arg10[%add3A_140] : memref<128xf32, #tpu.memory_space<vmem>>[vector<16xi32>], vector<16xf32>,
    %shift_left3A_142 = arith.constant 16 : i32
    %shift_left3A_143 = vector.broadcast %shift_left3A_142 : i32 to vector<16xi32>
    %shift_left3A_144 = arith.shli %gather3A_133, %shift_left3A_143 : vector<16xi32>
    %shift_right_arithmetic3A_145 = arith.constant 16 : i32
    %shift_right_arithmetic3A_146 = vector.broadcast %shift_right_arithmetic3A_145 : i32 to vector<16xi32>
    %shift_right_arithmetic3A_147 = arith.shrsi %shift_left3A_144, %shift_right_arithmetic3A_146 : vector<16xi32>
    %shift_right_arithmetic3A_148 = arith.constant 16 : i32
    %shift_right_arithmetic3A_149 = vector.broadcast %shift_right_arithmetic3A_148 : i32 to vector<16xi32>
    %shift_right_arithmetic3A_150 = arith.shrsi %gather3A_133, %shift_right_arithmetic3A_149 : vector<16xi32>
    %jit3A_151 = arith.constant 0 : i32
    %jit3A_152 = arith.constant 31 : i32
    %max3A_153 = vector.broadcast %jit3A_151 : i32 to vector<16xi32>
    %max3A_154 = arith.maxsi %max3A_153, %gather3A_137 : vector<16xi32>
    %min3A_155 = vector.broadcast %jit3A_152 : i32 to vector<16xi32>
    %min3A_156 = arith.minsi %min3A_155, %max3A_154 : vector<16xi32>
    %mul3A_157 = arith.constant 32 : i32
    %mul3A_158 = vector.broadcast %mul3A_157 : i32 to vector<16xi32>
    %mul3A_159 = arith.muli %add3A_96, %mul3A_158 : vector<16xi32>
    %add3A_160 = arith.addi %mul3A_159, %min3A_156 : vector<16xi32>
    %gather3A_161 = tpu.vector_load_idx %arg11[%add3A_160] : memref<2048xf32, #tpu.memory_space<vmem>>[vector<16xi32>], vector<16xf32>,
    %eq3A_162 = arith.constant -1 : i32
    %eq3A_163 = vector.broadcast %eq3A_162 : i32 to vector<16xi32>
    %eq3A_164 = arith.cmpi eq, %gather3A_133, %eq3A_163 : vector<16xi32>
    %le3A_165 = arith.cmpf ole, %gather3A_161, %gather3A_141 : vector<16xf32>
    %select_n3A_166 = arith.select %le3A_165, %shift_right_arithmetic3A_147, %shift_right_arithmetic3A_150 : vector<16xi1>, vector<16xi32>
    %select_n3A_167 = arith.select %eq3A_164, %select_n3A_129, %select_n3A_166 : vector<16xi1>, vector<16xi32>
    %add3A_168 = arith.constant 256 : i32
    %add3A_169 = vector.broadcast %add3A_168 : i32 to vector<16xi32>
    %add3A_170 = arith.addi %select_n3A_167, %add3A_169 : vector<16xi32>
    %gather3A_171 = tpu.vector_load_idx %arg9[%add3A_170] : memref<320xi32, #tpu.memory_space<vmem>>[vector<16xi32>], vector<16xi32>,
    %add3A_172 = arith.constant 192 : i32
    %add3A_173 = vector.broadcast %add3A_172 : i32 to vector<16xi32>
    %add3A_174 = arith.addi %select_n3A_167, %add3A_173 : vector<16xi32>
    %gather3A_175 = tpu.vector_load_idx %arg9[%add3A_174] : memref<320xi32, #tpu.memory_space<vmem>>[vector<16xi32>], vector<16xi32>,
    %add3A_176 = arith.constant 64 : i32
    %add3A_177 = vector.broadcast %add3A_176 : i32 to vector<16xi32>
    %add3A_178 = arith.addi %select_n3A_167, %add3A_177 : vector<16xi32>
    %gather3A_179 = tpu.vector_load_idx %arg10[%add3A_178] : memref<128xf32, #tpu.memory_space<vmem>>[vector<16xi32>], vector<16xf32>,
    %shift_left3A_180 = arith.constant 16 : i32
    %shift_left3A_181 = vector.broadcast %shift_left3A_180 : i32 to vector<16xi32>
    %shift_left3A_182 = arith.shli %gather3A_171, %shift_left3A_181 : vector<16xi32>
    %shift_right_arithmetic3A_183 = arith.constant 16 : i32
    %shift_right_arithmetic3A_184 = vector.broadcast %shift_right_arithmetic3A_183 : i32 to vector<16xi32>
    %shift_right_arithmetic3A_185 = arith.shrsi %shift_left3A_182, %shift_right_arithmetic3A_184 : vector<16xi32>
    %shift_right_arithmetic3A_186 = arith.constant 16 : i32
    %shift_right_arithmetic3A_187 = vector.broadcast %shift_right_arithmetic3A_186 : i32 to vector<16xi32>
    %shift_right_arithmetic3A_188 = arith.shrsi %gather3A_171, %shift_right_arithmetic3A_187 : vector<16xi32>
    %jit3A_189 = arith.constant 0 : i32
    %jit3A_190 = arith.constant 31 : i32
    %max3A_191 = vector.broadcast %jit3A_189 : i32 to vector<16xi32>
    %max3A_192 = arith.maxsi %max3A_191, %gather3A_175 : vector<16xi32>
    %min3A_193 = vector.broadcast %jit3A_190 : i32 to vector<16xi32>
    %min3A_194 = arith.minsi %min3A_193, %max3A_192 : vector<16xi32>
    %mul3A_195 = arith.constant 32 : i32
    %mul3A_196 = vector.broadcast %mul3A_195 : i32 to vector<16xi32>
    %mul3A_197 = arith.muli %add3A_96, %mul3A_196 : vector<16xi32>
    %add3A_198 = arith.addi %mul3A_197, %min3A_194 : vector<16xi32>
    %gather3A_199 = tpu.vector_load_idx %arg11[%add3A_198] : memref<2048xf32, #tpu.memory_space<vmem>>[vector<16xi32>], vector<16xf32>,
    %eq3A_200 = arith.constant -1 : i32
    %eq3A_201 = vector.broadcast %eq3A_200 : i32 to vector<16xi32>
    %eq3A_202 = arith.cmpi eq, %gather3A_171, %eq3A_201 : vector<16xi32>
    %le3A_203 = arith.cmpf ole, %gather3A_199, %gather3A_179 : vector<16xf32>
    %select_n3A_204 = arith.select %le3A_203, %shift_right_arithmetic3A_185, %shift_right_arithmetic3A_188 : vector<16xi1>, vector<16xi32>
    %select_n3A_205 = arith.select %eq3A_202, %select_n3A_167, %select_n3A_204 : vector<16xi1>, vector<16xi32>
    %add3A_206 = arith.constant 256 : i32
    %add3A_207 = vector.broadcast %add3A_206 : i32 to vector<16xi32>
    %add3A_208 = arith.addi %select_n3A_205, %add3A_207 : vector<16xi32>
    %gather3A_209 = tpu.vector_load_idx %arg9[%add3A_208] : memref<320xi32, #tpu.memory_space<vmem>>[vector<16xi32>], vector<16xi32>,
    %add3A_210 = arith.constant 192 : i32
    %add3A_211 = vector.broadcast %add3A_210 : i32 to vector<16xi32>
    %add3A_212 = arith.addi %select_n3A_205, %add3A_211 : vector<16xi32>
    %gather3A_213 = tpu.vector_load_idx %arg9[%add3A_212] : memref<320xi32, #tpu.memory_space<vmem>>[vector<16xi32>], vector<16xi32>,
    %add3A_214 = arith.constant 64 : i32
    %add3A_215 = vector.broadcast %add3A_214 : i32 to vector<16xi32>
    %add3A_216 = arith.addi %select_n3A_205, %add3A_215 : vector<16xi32>
    %gather3A_217 = tpu.vector_load_idx %arg10[%add3A_216] : memref<128xf32, #tpu.memory_space<vmem>>[vector<16xi32>], vector<16xf32>,
    %shift_left3A_218 = arith.constant 16 : i32
    %shift_left3A_219 = vector.broadcast %shift_left3A_218 : i32 to vector<16xi32>
    %shift_left3A_220 = arith.shli %gather3A_209, %shift_left3A_219 : vector<16xi32>
    %shift_right_arithmetic3A_221 = arith.constant 16 : i32
    %shift_right_arithmetic3A_222 = vector.broadcast %shift_right_arithmetic3A_221 : i32 to vector<16xi32>
    %shift_right_arithmetic3A_223 = arith.shrsi %shift_left3A_220, %shift_right_arithmetic3A_222 : vector<16xi32>
    %shift_right_arithmetic3A_224 = arith.constant 16 : i32
    %shift_right_arithmetic3A_225 = vector.broadcast %shift_right_arithmetic3A_224 : i32 to vector<16xi32>
    %shift_right_arithmetic3A_226 = arith.shrsi %gather3A_209, %shift_right_arithmetic3A_225 : vector<16xi32>
    %jit3A_227 = arith.constant 0 : i32
    %jit3A_228 = arith.constant 31 : i32
    %max3A_229 = vector.broadcast %jit3A_227 : i32 to vector<16xi32>
    %max3A_230 = arith.maxsi %max3A_229, %gather3A_213 : vector<16xi32>
    %min3A_231 = vector.broadcast %jit3A_228 : i32 to vector<16xi32>
    %min3A_232 = arith.minsi %min3A_231, %max3A_230 : vector<16xi32>
    %mul3A_233 = arith.constant 32 : i32
    %mul3A_234 = vector.broadcast %mul3A_233 : i32 to vector<16xi32>
    %mul3A_235 = arith.muli %add3A_96, %mul3A_234 : vector<16xi32>
    %add3A_236 = arith.addi %mul3A_235, %min3A_232 : vector<16xi32>
    %gather3A_237 = tpu.vector_load_idx %arg11[%add3A_236] : memref<2048xf32, #tpu.memory_space<vmem>>[vector<16xi32>], vector<16xf32>,
    %eq3A_238 = arith.constant -1 : i32
    %eq3A_239 = vector.broadcast %eq3A_238 : i32 to vector<16xi32>
    %eq3A_240 = arith.cmpi eq, %gather3A_209, %eq3A_239 : vector<16xi32>
    %le3A_241 = arith.cmpf ole, %gather3A_237, %gather3A_217 : vector<16xf32>
    %select_n3A_242 = arith.select %le3A_241, %shift_right_arithmetic3A_223, %shift_right_arithmetic3A_226 : vector<16xi1>, vector<16xi32>
    %select_n3A_243 = arith.select %eq3A_240, %select_n3A_205, %select_n3A_242 : vector<16xi1>, vector<16xi32>
    %add3A_244 = arith.constant 256 : i32
    %add3A_245 = vector.broadcast %add3A_244 : i32 to vector<16xi32>
    %add3A_246 = arith.addi %select_n3A_243, %add3A_245 : vector<16xi32>
    %gather3A_247 = tpu.vector_load_idx %arg9[%add3A_246] : memref<320xi32, #tpu.memory_space<vmem>>[vector<16xi32>], vector<16xi32>,
    %add3A_248 = arith.constant 192 : i32
    %add3A_249 = vector.broadcast %add3A_248 : i32 to vector<16xi32>
    %add3A_250 = arith.addi %select_n3A_243, %add3A_249 : vector<16xi32>
    %gather3A_251 = tpu.vector_load_idx %arg9[%add3A_250] : memref<320xi32, #tpu.memory_space<vmem>>[vector<16xi32>], vector<16xi32>,
    %add3A_252 = arith.constant 64 : i32
    %add3A_253 = vector.broadcast %add3A_252 : i32 to vector<16xi32>
    %add3A_254 = arith.addi %select_n3A_243, %add3A_253 : vector<16xi32>
    %gather3A_255 = tpu.vector_load_idx %arg10[%add3A_254] : memref<128xf32, #tpu.memory_space<vmem>>[vector<16xi32>], vector<16xf32>,
    %shift_left3A_256 = arith.constant 16 : i32
    %shift_left3A_257 = vector.broadcast %shift_left3A_256 : i32 to vector<16xi32>
    %shift_left3A_258 = arith.shli %gather3A_247, %shift_left3A_257 : vector<16xi32>
    %shift_right_arithmetic3A_259 = arith.constant 16 : i32
    %shift_right_arithmetic3A_260 = vector.broadcast %shift_right_arithmetic3A_259 : i32 to vector<16xi32>
    %shift_right_arithmetic3A_261 = arith.shrsi %shift_left3A_258, %shift_right_arithmetic3A_260 : vector<16xi32>
    %shift_right_arithmetic3A_262 = arith.constant 16 : i32
    %shift_right_arithmetic3A_263 = vector.broadcast %shift_right_arithmetic3A_262 : i32 to vector<16xi32>
    %shift_right_arithmetic3A_264 = arith.shrsi %gather3A_247, %shift_right_arithmetic3A_263 : vector<16xi32>
    %jit3A_265 = arith.constant 0 : i32
    %jit3A_266 = arith.constant 31 : i32
    %max3A_267 = vector.broadcast %jit3A_265 : i32 to vector<16xi32>
    %max3A_268 = arith.maxsi %max3A_267, %gather3A_251 : vector<16xi32>
    %min3A_269 = vector.broadcast %jit3A_266 : i32 to vector<16xi32>
    %min3A_270 = arith.minsi %min3A_269, %max3A_268 : vector<16xi32>
    %mul3A_271 = arith.constant 32 : i32
    %mul3A_272 = vector.broadcast %mul3A_271 : i32 to vector<16xi32>
    %mul3A_273 = arith.muli %add3A_96, %mul3A_272 : vector<16xi32>
    %add3A_274 = arith.addi %mul3A_273, %min3A_270 : vector<16xi32>
    %gather3A_275 = tpu.vector_load_idx %arg11[%add3A_274] : memref<2048xf32, #tpu.memory_space<vmem>>[vector<16xi32>], vector<16xf32>,
    %eq3A_276 = arith.constant -1 : i32
    %eq3A_277 = vector.broadcast %eq3A_276 : i32 to vector<16xi32>
    %eq3A_278 = arith.cmpi eq, %gather3A_247, %eq3A_277 : vector<16xi32>
    %le3A_279 = arith.cmpf ole, %gather3A_275, %gather3A_255 : vector<16xf32>
    %select_n3A_280 = arith.select %le3A_279, %shift_right_arithmetic3A_261, %shift_right_arithmetic3A_264 : vector<16xi1>, vector<16xi32>
    %select_n3A_281 = arith.select %eq3A_278, %select_n3A_243, %select_n3A_280 : vector<16xi1>, vector<16xi32>
    %gather3A_282 = tpu.vector_load_idx %arg10[%select_n3A_281] : memref<128xf32, #tpu.memory_space<vmem>>[vector<16xi32>], vector<16xf32>,
    %swap3A_283 = arith.constant 0 : index
    %swap3A_284 = tpu.vector_load %arg12[%swap3A_283] {strides = array<i32>} : memref<64xf32, #tpu.memory_space<vmem>>, vector<16xf32>,
    tpu.vector_store %arg12[%swap3A_283], %gather3A_282 {strides = array<i32>} : memref<64xf32, #tpu.memory_space<vmem>>, vector<16xf32>,
    %add3A_285 = arith.constant 16 : i32
    %add3A_286 = vector.broadcast %add3A_285 : i32 to vector<16xi32>
    %add3A_287 = arith.addi %iota3A, %add3A_286 : vector<16xi32>
    %mul3A_288 = arith.constant 0 : i32
    %mul3A_289 = vector.broadcast %mul3A_288 : i32 to vector<16xi32>
    %mul3A_290 = arith.muli %iota3A, %mul3A_289 : vector<16xi32>
    %add3A_291 = arith.constant 256 : i32
    %add3A_292 = vector.broadcast %add3A_291 : i32 to vector<16xi32>
    %add3A_293 = arith.addi %mul3A_290, %add3A_292 : vector<16xi32>
    %gather3A_294 = tpu.vector_load_idx %arg9[%add3A_293] : memref<320xi32, #tpu.memory_space<vmem>>[vector<16xi32>], vector<16xi32>,
    %add3A_295 = arith.constant 192 : i32
    %add3A_296 = vector.broadcast %add3A_295 : i32 to vector<16xi32>
    %add3A_297 = arith.addi %mul3A_290, %add3A_296 : vector<16xi32>
    %gather3A_298 = tpu.vector_load_idx %arg9[%add3A_297] : memref<320xi32, #tpu.memory_space<vmem>>[vector<16xi32>], vector<16xi32>,
    %add3A_299 = arith.constant 64 : i32
    %add3A_300 = vector.broadcast %add3A_299 : i32 to vector<16xi32>
    %add3A_301 = arith.addi %mul3A_290, %add3A_300 : vector<16xi32>
    %gather3A_302 = tpu.vector_load_idx %arg10[%add3A_301] : memref<128xf32, #tpu.memory_space<vmem>>[vector<16xi32>], vector<16xf32>,
    %shift_left3A_303 = arith.constant 16 : i32
    %shift_left3A_304 = vector.broadcast %shift_left3A_303 : i32 to vector<16xi32>
    %shift_left3A_305 = arith.shli %gather3A_294, %shift_left3A_304 : vector<16xi32>
    %shift_right_arithmetic3A_306 = arith.constant 16 : i32
    %shift_right_arithmetic3A_307 = vector.broadcast %shift_right_arithmetic3A_306 : i32 to vector<16xi32>
    %shift_right_arithmetic3A_308 = arith.shrsi %shift_left3A_305, %shift_right_arithmetic3A_307 : vector<16xi32>
    %shift_right_arithmetic3A_309 = arith.constant 16 : i32
    %shift_right_arithmetic3A_310 = vector.broadcast %shift_right_arithmetic3A_309 : i32 to vector<16xi32>
    %shift_right_arithmetic3A_311 = arith.shrsi %gather3A_294, %shift_right_arithmetic3A_310 : vector<16xi32>
    %jit3A_312 = arith.constant 0 : i32
    %jit3A_313 = arith.constant 31 : i32
    %max3A_314 = vector.broadcast %jit3A_312 : i32 to vector<16xi32>
    %max3A_315 = arith.maxsi %max3A_314, %gather3A_298 : vector<16xi32>
    %min3A_316 = vector.broadcast %jit3A_313 : i32 to vector<16xi32>
    %min3A_317 = arith.minsi %min3A_316, %max3A_315 : vector<16xi32>
    %mul3A_318 = arith.constant 32 : i32
    %mul3A_319 = vector.broadcast %mul3A_318 : i32 to vector<16xi32>
    %mul3A_320 = arith.muli %add3A_287, %mul3A_319 : vector<16xi32>
    %add3A_321 = arith.addi %mul3A_320, %min3A_317 : vector<16xi32>
    %gather3A_322 = tpu.vector_load_idx %arg11[%add3A_321] : memref<2048xf32, #tpu.memory_space<vmem>>[vector<16xi32>], vector<16xf32>,
    %eq3A_323 = arith.constant -1 : i32
    %eq3A_324 = vector.broadcast %eq3A_323 : i32 to vector<16xi32>
    %eq3A_325 = arith.cmpi eq, %gather3A_294, %eq3A_324 : vector<16xi32>
    %le3A_326 = arith.cmpf ole, %gather3A_322, %gather3A_302 : vector<16xf32>
    %select_n3A_327 = arith.select %le3A_326, %shift_right_arithmetic3A_308, %shift_right_arithmetic3A_311 : vector<16xi1>, vector<16xi32>
    %select_n3A_328 = arith.select %eq3A_325, %mul3A_290, %select_n3A_327 : vector<16xi1>, vector<16xi32>
    %add3A_329 = arith.constant 256 : i32
    %add3A_330 = vector.broadcast %add3A_329 : i32 to vector<16xi32>
    %add3A_331 = arith.addi %select_n3A_328, %add3A_330 : vector<16xi32>
    %gather3A_332 = tpu.vector_load_idx %arg9[%add3A_331] : memref<320xi32, #tpu.memory_space<vmem>>[vector<16xi32>], vector<16xi32>,
    %add3A_333 = arith.constant 192 : i32
    %add3A_334 = vector.broadcast %add3A_333 : i32 to vector<16xi32>
    %add3A_335 = arith.addi %select_n3A_328, %add3A_334 : vector<16xi32>
    %gather3A_336 = tpu.vector_load_idx %arg9[%add3A_335] : memref<320xi32, #tpu.memory_space<vmem>>[vector<16xi32>], vector<16xi32>,
    %add3A_337 = arith.constant 64 : i32
    %add3A_338 = vector.broadcast %add3A_337 : i32 to vector<16xi32>
    %add3A_339 = arith.addi %select_n3A_328, %add3A_338 : vector<16xi32>
    %gather3A_340 = tpu.vector_load_idx %arg10[%add3A_339] : memref<128xf32, #tpu.memory_space<vmem>>[vector<16xi32>], vector<16xf32>,
    %shift_left3A_341 = arith.constant 16 : i32
    %shift_left3A_342 = vector.broadcast %shift_left3A_341 : i32 to vector<16xi32>
    %shift_left3A_343 = arith.shli %gather3A_332, %shift_left3A_342 : vector<16xi32>
    %shift_right_arithmetic3A_344 = arith.constant 16 : i32
    %shift_right_arithmetic3A_345 = vector.broadcast %shift_right_arithmetic3A_344 : i32 to vector<16xi32>
    %shift_right_arithmetic3A_346 = arith.shrsi %shift_left3A_343, %shift_right_arithmetic3A_345 : vector<16xi32>
    %shift_right_arithmetic3A_347 = arith.constant 16 : i32
    %shift_right_arithmetic3A_348 = vector.broadcast %shift_right_arithmetic3A_347 : i32 to vector<16xi32>
    %shift_right_arithmetic3A_349 = arith.shrsi %gather3A_332, %shift_right_arithmetic3A_348 : vector<16xi32>
    %jit3A_350 = arith.constant 0 : i32
    %jit3A_351 = arith.constant 31 : i32
    %max3A_352 = vector.broadcast %jit3A_350 : i32 to vector<16xi32>
    %max3A_353 = arith.maxsi %max3A_352, %gather3A_336 : vector<16xi32>
    %min3A_354 = vector.broadcast %jit3A_351 : i32 to vector<16xi32>
    %min3A_355 = arith.minsi %min3A_354, %max3A_353 : vector<16xi32>
    %mul3A_356 = arith.constant 32 : i32
    %mul3A_357 = vector.broadcast %mul3A_356 : i32 to vector<16xi32>
    %mul3A_358 = arith.muli %add3A_287, %mul3A_357 : vector<16xi32>
    %add3A_359 = arith.addi %mul3A_358, %min3A_355 : vector<16xi32>
    %gather3A_360 = tpu.vector_load_idx %arg11[%add3A_359] : memref<2048xf32, #tpu.memory_space<vmem>>[vector<16xi32>], vector<16xf32>,
    %eq3A_361 = arith.constant -1 : i32
    %eq3A_362 = vector.broadcast %eq3A_361 : i32 to vector<16xi32>
    %eq3A_363 = arith.cmpi eq, %gather3A_332, %eq3A_362 : vector<16xi32>
    %le3A_364 = arith.cmpf ole, %gather3A_360, %gather3A_340 : vector<16xf32>
    %select_n3A_365 = arith.select %le3A_364, %shift_right_arithmetic3A_346, %shift_right_arithmetic3A_349 : vector<16xi1>, vector<16xi32>
    %select_n3A_366 = arith.select %eq3A_363, %select_n3A_328, %select_n3A_365 : vector<16xi1>, vector<16xi32>
    %add3A_367 = arith.constant 256 : i32
    %add3A_368 = vector.broadcast %add3A_367 : i32 to vector<16xi32>
    %add3A_369 = arith.addi %select_n3A_366, %add3A_368 : vector<16xi32>
    %gather3A_370 = tpu.vector_load_idx %arg9[%add3A_369] : memref<320xi32, #tpu.memory_space<vmem>>[vector<16xi32>], vector<16xi32>,
    %add3A_371 = arith.constant 192 : i32
    %add3A_372 = vector.broadcast %add3A_371 : i32 to vector<16xi32>
    %add3A_373 = arith.addi %select_n3A_366, %add3A_372 : vector<16xi32>
    %gather3A_374 = tpu.vector_load_idx %arg9[%add3A_373] : memref<320xi32, #tpu.memory_space<vmem>>[vector<16xi32>], vector<16xi32>,
    %add3A_375 = arith.constant 64 : i32
    %add3A_376 = vector.broadcast %add3A_375 : i32 to vector<16xi32>
    %add3A_377 = arith.addi %select_n3A_366, %add3A_376 : vector<16xi32>
    %gather3A_378 = tpu.vector_load_idx %arg10[%add3A_377] : memref<128xf32, #tpu.memory_space<vmem>>[vector<16xi32>], vector<16xf32>,
    %shift_left3A_379 = arith.constant 16 : i32
    %shift_left3A_380 = vector.broadcast %shift_left3A_379 : i32 to vector<16xi32>
    %shift_left3A_381 = arith.shli %gather3A_370, %shift_left3A_380 : vector<16xi32>
    %shift_right_arithmetic3A_382 = arith.constant 16 : i32
    %shift_right_arithmetic3A_383 = vector.broadcast %shift_right_arithmetic3A_382 : i32 to vector<16xi32>
    %shift_right_arithmetic3A_384 = arith.shrsi %shift_left3A_381, %shift_right_arithmetic3A_383 : vector<16xi32>
    %shift_right_arithmetic3A_385 = arith.constant 16 : i32
    %shift_right_arithmetic3A_386 = vector.broadcast %shift_right_arithmetic3A_385 : i32 to vector<16xi32>
    %shift_right_arithmetic3A_387 = arith.shrsi %gather3A_370, %shift_right_arithmetic3A_386 : vector<16xi32>
    %jit3A_388 = arith.constant 0 : i32
    %jit3A_389 = arith.constant 31 : i32
    %max3A_390 = vector.broadcast %jit3A_388 : i32 to vector<16xi32>
    %max3A_391 = arith.maxsi %max3A_390, %gather3A_374 : vector<16xi32>
    %min3A_392 = vector.broadcast %jit3A_389 : i32 to vector<16xi32>
    %min3A_393 = arith.minsi %min3A_392, %max3A_391 : vector<16xi32>
    %mul3A_394 = arith.constant 32 : i32
    %mul3A_395 = vector.broadcast %mul3A_394 : i32 to vector<16xi32>
    %mul3A_396 = arith.muli %add3A_287, %mul3A_395 : vector<16xi32>
    %add3A_397 = arith.addi %mul3A_396, %min3A_393 : vector<16xi32>
    %gather3A_398 = tpu.vector_load_idx %arg11[%add3A_397] : memref<2048xf32, #tpu.memory_space<vmem>>[vector<16xi32>], vector<16xf32>,
    %eq3A_399 = arith.constant -1 : i32
    %eq3A_400 = vector.broadcast %eq3A_399 : i32 to vector<16xi32>
    %eq3A_401 = arith.cmpi eq, %gather3A_370, %eq3A_400 : vector<16xi32>
    %le3A_402 = arith.cmpf ole, %gather3A_398, %gather3A_378 : vector<16xf32>
    %select_n3A_403 = arith.select %le3A_402, %shift_right_arithmetic3A_384, %shift_right_arithmetic3A_387 : vector<16xi1>, vector<16xi32>
    %select_n3A_404 = arith.select %eq3A_401, %select_n3A_366, %select_n3A_403 : vector<16xi1>, vector<16xi32>
    %add3A_405 = arith.constant 256 : i32
    %add3A_406 = vector.broadcast %add3A_405 : i32 to vector<16xi32>
    %add3A_407 = arith.addi %select_n3A_404, %add3A_406 : vector<16xi32>
    %gather3A_408 = tpu.vector_load_idx %arg9[%add3A_407] : memref<320xi32, #tpu.memory_space<vmem>>[vector<16xi32>], vector<16xi32>,
    %add3A_409 = arith.constant 192 : i32
    %add3A_410 = vector.broadcast %add3A_409 : i32 to vector<16xi32>
    %add3A_411 = arith.addi %select_n3A_404, %add3A_410 : vector<16xi32>
    %gather3A_412 = tpu.vector_load_idx %arg9[%add3A_411] : memref<320xi32, #tpu.memory_space<vmem>>[vector<16xi32>], vector<16xi32>,
    %add3A_413 = arith.constant 64 : i32
    %add3A_414 = vector.broadcast %add3A_413 : i32 to vector<16xi32>
    %add3A_415 = arith.addi %select_n3A_404, %add3A_414 : vector<16xi32>
    %gather3A_416 = tpu.vector_load_idx %arg10[%add3A_415] : memref<128xf32, #tpu.memory_space<vmem>>[vector<16xi32>], vector<16xf32>,
    %shift_left3A_417 = arith.constant 16 : i32
    %shift_left3A_418 = vector.broadcast %shift_left3A_417 : i32 to vector<16xi32>
    %shift_left3A_419 = arith.shli %gather3A_408, %shift_left3A_418 : vector<16xi32>
    %shift_right_arithmetic3A_420 = arith.constant 16 : i32
    %shift_right_arithmetic3A_421 = vector.broadcast %shift_right_arithmetic3A_420 : i32 to vector<16xi32>
    %shift_right_arithmetic3A_422 = arith.shrsi %shift_left3A_419, %shift_right_arithmetic3A_421 : vector<16xi32>
    %shift_right_arithmetic3A_423 = arith.constant 16 : i32
    %shift_right_arithmetic3A_424 = vector.broadcast %shift_right_arithmetic3A_423 : i32 to vector<16xi32>
    %shift_right_arithmetic3A_425 = arith.shrsi %gather3A_408, %shift_right_arithmetic3A_424 : vector<16xi32>
    %jit3A_426 = arith.constant 0 : i32
    %jit3A_427 = arith.constant 31 : i32
    %max3A_428 = vector.broadcast %jit3A_426 : i32 to vector<16xi32>
    %max3A_429 = arith.maxsi %max3A_428, %gather3A_412 : vector<16xi32>
    %min3A_430 = vector.broadcast %jit3A_427 : i32 to vector<16xi32>
    %min3A_431 = arith.minsi %min3A_430, %max3A_429 : vector<16xi32>
    %mul3A_432 = arith.constant 32 : i32
    %mul3A_433 = vector.broadcast %mul3A_432 : i32 to vector<16xi32>
    %mul3A_434 = arith.muli %add3A_287, %mul3A_433 : vector<16xi32>
    %add3A_435 = arith.addi %mul3A_434, %min3A_431 : vector<16xi32>
    %gather3A_436 = tpu.vector_load_idx %arg11[%add3A_435] : memref<2048xf32, #tpu.memory_space<vmem>>[vector<16xi32>], vector<16xf32>,
    %eq3A_437 = arith.constant -1 : i32
    %eq3A_438 = vector.broadcast %eq3A_437 : i32 to vector<16xi32>
    %eq3A_439 = arith.cmpi eq, %gather3A_408, %eq3A_438 : vector<16xi32>
    %le3A_440 = arith.cmpf ole, %gather3A_436, %gather3A_416 : vector<16xf32>
    %select_n3A_441 = arith.select %le3A_440, %shift_right_arithmetic3A_422, %shift_right_arithmetic3A_425 : vector<16xi1>, vector<16xi32>
    %select_n3A_442 = arith.select %eq3A_439, %select_n3A_404, %select_n3A_441 : vector<16xi1>, vector<16xi32>
    %add3A_443 = arith.constant 256 : i32
    %add3A_444 = vector.broadcast %add3A_443 : i32 to vector<16xi32>
    %add3A_445 = arith.addi %select_n3A_442, %add3A_444 : vector<16xi32>
    %gather3A_446 = tpu.vector_load_idx %arg9[%add3A_445] : memref<320xi32, #tpu.memory_space<vmem>>[vector<16xi32>], vector<16xi32>,
    %add3A_447 = arith.constant 192 : i32
    %add3A_448 = vector.broadcast %add3A_447 : i32 to vector<16xi32>
    %add3A_449 = arith.addi %select_n3A_442, %add3A_448 : vector<16xi32>
    %gather3A_450 = tpu.vector_load_idx %arg9[%add3A_449] : memref<320xi32, #tpu.memory_space<vmem>>[vector<16xi32>], vector<16xi32>,
    %add3A_451 = arith.constant 64 : i32
    %add3A_452 = vector.broadcast %add3A_451 : i32 to vector<16xi32>
    %add3A_453 = arith.addi %select_n3A_442, %add3A_452 : vector<16xi32>
    %gather3A_454 = tpu.vector_load_idx %arg10[%add3A_453] : memref<128xf32, #tpu.memory_space<vmem>>[vector<16xi32>], vector<16xf32>,
    %shift_left3A_455 = arith.constant 16 : i32
    %shift_left3A_456 = vector.broadcast %shift_left3A_455 : i32 to vector<16xi32>
    %shift_left3A_457 = arith.shli %gather3A_446, %shift_left3A_456 : vector<16xi32>
    %shift_right_arithmetic3A_458 = arith.constant 16 : i32
    %shift_right_arithmetic3A_459 = vector.broadcast %shift_right_arithmetic3A_458 : i32 to vector<16xi32>
    %shift_right_arithmetic3A_460 = arith.shrsi %shift_left3A_457, %shift_right_arithmetic3A_459 : vector<16xi32>
    %shift_right_arithmetic3A_461 = arith.constant 16 : i32
    %shift_right_arithmetic3A_462 = vector.broadcast %shift_right_arithmetic3A_461 : i32 to vector<16xi32>
    %shift_right_arithmetic3A_463 = arith.shrsi %gather3A_446, %shift_right_arithmetic3A_462 : vector<16xi32>
    %jit3A_464 = arith.constant 0 : i32
    %jit3A_465 = arith.constant 31 : i32
    %max3A_466 = vector.broadcast %jit3A_464 : i32 to vector<16xi32>
    %max3A_467 = arith.maxsi %max3A_466, %gather3A_450 : vector<16xi32>
    %min3A_468 = vector.broadcast %jit3A_465 : i32 to vector<16xi32>
    %min3A_469 = arith.minsi %min3A_468, %max3A_467 : vector<16xi32>
    %mul3A_470 = arith.constant 32 : i32
    %mul3A_471 = vector.broadcast %mul3A_470 : i32 to vector<16xi32>
    %mul3A_472 = arith.muli %add3A_287, %mul3A_471 : vector<16xi32>
    %add3A_473 = arith.addi %mul3A_472, %min3A_469 : vector<16xi32>
    %gather3A_474 = tpu.vector_load_idx %arg11[%add3A_473] : memref<2048xf32, #tpu.memory_space<vmem>>[vector<16xi32>], vector<16xf32>,
    %eq3A_475 = arith.constant -1 : i32
    %eq3A_476 = vector.broadcast %eq3A_475 : i32 to vector<16xi32>
    %eq3A_477 = arith.cmpi eq, %gather3A_446, %eq3A_476 : vector<16xi32>
    %le3A_478 = arith.cmpf ole, %gather3A_474, %gather3A_454 : vector<16xf32>
    %select_n3A_479 = arith.select %le3A_478, %shift_right_arithmetic3A_460, %shift_right_arithmetic3A_463 : vector<16xi1>, vector<16xi32>
    %select_n3A_480 = arith.select %eq3A_477, %select_n3A_442, %select_n3A_479 : vector<16xi1>, vector<16xi32>
    %gather3A_481 = tpu.vector_load_idx %arg10[%select_n3A_480] : memref<128xf32, #tpu.memory_space<vmem>>[vector<16xi32>], vector<16xf32>,
    %swap3A_482 = arith.constant 16 : index
    %swap3A_483 = tpu.vector_load %arg12[%swap3A_482] {strides = array<i32>} : memref<64xf32, #tpu.memory_space<vmem>>, vector<16xf32>,
    tpu.vector_store %arg12[%swap3A_482], %gather3A_481 {strides = array<i32>} : memref<64xf32, #tpu.memory_space<vmem>>, vector<16xf32>,
    %add3A_484 = arith.constant 32 : i32
    %add3A_485 = vector.broadcast %add3A_484 : i32 to vector<16xi32>
    %add3A_486 = arith.addi %iota3A, %add3A_485 : vector<16xi32>
    %mul3A_487 = arith.constant 0 : i32
    %mul3A_488 = vector.broadcast %mul3A_487 : i32 to vector<16xi32>
    %mul3A_489 = arith.muli %iota3A, %mul3A_488 : vector<16xi32>
    %add3A_490 = arith.constant 256 : i32
    %add3A_491 = vector.broadcast %add3A_490 : i32 to vector<16xi32>
    %add3A_492 = arith.addi %mul3A_489, %add3A_491 : vector<16xi32>
    %gather3A_493 = tpu.vector_load_idx %arg9[%add3A_492] : memref<320xi32, #tpu.memory_space<vmem>>[vector<16xi32>], vector<16xi32>,
    %add3A_494 = arith.constant 192 : i32
    %add3A_495 = vector.broadcast %add3A_494 : i32 to vector<16xi32>
    %add3A_496 = arith.addi %mul3A_489, %add3A_495 : vector<16xi32>
    %gather3A_497 = tpu.vector_load_idx %arg9[%add3A_496] : memref<320xi32, #tpu.memory_space<vmem>>[vector<16xi32>], vector<16xi32>,
    %add3A_498 = arith.constant 64 : i32
    %add3A_499 = vector.broadcast %add3A_498 : i32 to vector<16xi32>
    %add3A_500 = arith.addi %mul3A_489, %add3A_499 : vector<16xi32>
    %gather3A_501 = tpu.vector_load_idx %arg10[%add3A_500] : memref<128xf32, #tpu.memory_space<vmem>>[vector<16xi32>], vector<16xf32>,
    %shift_left3A_502 = arith.constant 16 : i32
    %shift_left3A_503 = vector.broadcast %shift_left3A_502 : i32 to vector<16xi32>
    %shift_left3A_504 = arith.shli %gather3A_493, %shift_left3A_503 : vector<16xi32>
    %shift_right_arithmetic3A_505 = arith.constant 16 : i32
    %shift_right_arithmetic3A_506 = vector.broadcast %shift_right_arithmetic3A_505 : i32 to vector<16xi32>
    %shift_right_arithmetic3A_507 = arith.shrsi %shift_left3A_504, %shift_right_arithmetic3A_506 : vector<16xi32>
    %shift_right_arithmetic3A_508 = arith.constant 16 : i32
    %shift_right_arithmetic3A_509 = vector.broadcast %shift_right_arithmetic3A_508 : i32 to vector<16xi32>
    %shift_right_arithmetic3A_510 = arith.shrsi %gather3A_493, %shift_right_arithmetic3A_509 : vector<16xi32>
    %jit3A_511 = arith.constant 0 : i32
    %jit3A_512 = arith.constant 31 : i32
    %max3A_513 = vector.broadcast %jit3A_511 : i32 to vector<16xi32>
    %max3A_514 = arith.maxsi %max3A_513, %gather3A_497 : vector<16xi32>
    %min3A_515 = vector.broadcast %jit3A_512 : i32 to vector<16xi32>
    %min3A_516 = arith.minsi %min3A_515, %max3A_514 : vector<16xi32>
    %mul3A_517 = arith.constant 32 : i32
    %mul3A_518 = vector.broadcast %mul3A_517 : i32 to vector<16xi32>
    %mul3A_519 = arith.muli %add3A_486, %mul3A_518 : vector<16xi32>
    %add3A_520 = arith.addi %mul3A_519, %min3A_516 : vector<16xi32>
    %gather3A_521 = tpu.vector_load_idx %arg11[%add3A_520] : memref<2048xf32, #tpu.memory_space<vmem>>[vector<16xi32>], vector<16xf32>,
    %eq3A_522 = arith.constant -1 : i32
    %eq3A_523 = vector.broadcast %eq3A_522 : i32 to vector<16xi32>
    %eq3A_524 = arith.cmpi eq, %gather3A_493, %eq3A_523 : vector<16xi32>
    %le3A_525 = arith.cmpf ole, %gather3A_521, %gather3A_501 : vector<16xf32>
    %select_n3A_526 = arith.select %le3A_525, %shift_right_arithmetic3A_507, %shift_right_arithmetic3A_510 : vector<16xi1>, vector<16xi32>
    %select_n3A_527 = arith.select %eq3A_524, %mul3A_489, %select_n3A_526 : vector<16xi1>, vector<16xi32>
    %add3A_528 = arith.constant 256 : i32
    %add3A_529 = vector.broadcast %add3A_528 : i32 to vector<16xi32>
    %add3A_530 = arith.addi %select_n3A_527, %add3A_529 : vector<16xi32>
    %gather3A_531 = tpu.vector_load_idx %arg9[%add3A_530] : memref<320xi32, #tpu.memory_space<vmem>>[vector<16xi32>], vector<16xi32>,
    %add3A_532 = arith.constant 192 : i32
    %add3A_533 = vector.broadcast %add3A_532 : i32 to vector<16xi32>
    %add3A_534 = arith.addi %select_n3A_527, %add3A_533 : vector<16xi32>
    %gather3A_535 = tpu.vector_load_idx %arg9[%add3A_534] : memref<320xi32, #tpu.memory_space<vmem>>[vector<16xi32>], vector<16xi32>,
    %add3A_536 = arith.constant 64 : i32
    %add3A_537 = vector.broadcast %add3A_536 : i32 to vector<16xi32>
    %add3A_538 = arith.addi %select_n3A_527, %add3A_537 : vector<16xi32>
    %gather3A_539 = tpu.vector_load_idx %arg10[%add3A_538] : memref<128xf32, #tpu.memory_space<vmem>>[vector<16xi32>], vector<16xf32>,
    %shift_left3A_540 = arith.constant 16 : i32
    %shift_left3A_541 = vector.broadcast %shift_left3A_540 : i32 to vector<16xi32>
    %shift_left3A_542 = arith.shli %gather3A_531, %shift_left3A_541 : vector<16xi32>
    %shift_right_arithmetic3A_543 = arith.constant 16 : i32
    %shift_right_arithmetic3A_544 = vector.broadcast %shift_right_arithmetic3A_543 : i32 to vector<16xi32>
    %shift_right_arithmetic3A_545 = arith.shrsi %shift_left3A_542, %shift_right_arithmetic3A_544 : vector<16xi32>
    %shift_right_arithmetic3A_546 = arith.constant 16 : i32
    %shift_right_arithmetic3A_547 = vector.broadcast %shift_right_arithmetic3A_546 : i32 to vector<16xi32>
    %shift_right_arithmetic3A_548 = arith.shrsi %gather3A_531, %shift_right_arithmetic3A_547 : vector<16xi32>
    %jit3A_549 = arith.constant 0 : i32
    %jit3A_550 = arith.constant 31 : i32
    %max3A_551 = vector.broadcast %jit3A_549 : i32 to vector<16xi32>
    %max3A_552 = arith.maxsi %max3A_551, %gather3A_535 : vector<16xi32>
    %min3A_553 = vector.broadcast %jit3A_550 : i32 to vector<16xi32>
    %min3A_554 = arith.minsi %min3A_553, %max3A_552 : vector<16xi32>
    %mul3A_555 = arith.constant 32 : i32
    %mul3A_556 = vector.broadcast %mul3A_555 : i32 to vector<16xi32>
    %mul3A_557 = arith.muli %add3A_486, %mul3A_556 : vector<16xi32>
    %add3A_558 = arith.addi %mul3A_557, %min3A_554 : vector<16xi32>
    %gather3A_559 = tpu.vector_load_idx %arg11[%add3A_558] : memref<2048xf32, #tpu.memory_space<vmem>>[vector<16xi32>], vector<16xf32>,
    %eq3A_560 = arith.constant -1 : i32
    %eq3A_561 = vector.broadcast %eq3A_560 : i32 to vector<16xi32>
    %eq3A_562 = arith.cmpi eq, %gather3A_531, %eq3A_561 : vector<16xi32>
    %le3A_563 = arith.cmpf ole, %gather3A_559, %gather3A_539 : vector<16xf32>
    %select_n3A_564 = arith.select %le3A_563, %shift_right_arithmetic3A_545, %shift_right_arithmetic3A_548 : vector<16xi1>, vector<16xi32>
    %select_n3A_565 = arith.select %eq3A_562, %select_n3A_527, %select_n3A_564 : vector<16xi1>, vector<16xi32>
    %add3A_566 = arith.constant 256 : i32
    %add3A_567 = vector.broadcast %add3A_566 : i32 to vector<16xi32>
    %add3A_568 = arith.addi %select_n3A_565, %add3A_567 : vector<16xi32>
    %gather3A_569 = tpu.vector_load_idx %arg9[%add3A_568] : memref<320xi32, #tpu.memory_space<vmem>>[vector<16xi32>], vector<16xi32>,
    %add3A_570 = arith.constant 192 : i32
    %add3A_571 = vector.broadcast %add3A_570 : i32 to vector<16xi32>
    %add3A_572 = arith.addi %select_n3A_565, %add3A_571 : vector<16xi32>
    %gather3A_573 = tpu.vector_load_idx %arg9[%add3A_572] : memref<320xi32, #tpu.memory_space<vmem>>[vector<16xi32>], vector<16xi32>,
    %add3A_574 = arith.constant 64 : i32
    %add3A_575 = vector.broadcast %add3A_574 : i32 to vector<16xi32>
    %add3A_576 = arith.addi %select_n3A_565, %add3A_575 : vector<16xi32>
    %gather3A_577 = tpu.vector_load_idx %arg10[%add3A_576] : memref<128xf32, #tpu.memory_space<vmem>>[vector<16xi32>], vector<16xf32>,
    %shift_left3A_578 = arith.constant 16 : i32
    %shift_left3A_579 = vector.broadcast %shift_left3A_578 : i32 to vector<16xi32>
    %shift_left3A_580 = arith.shli %gather3A_569, %shift_left3A_579 : vector<16xi32>
    %shift_right_arithmetic3A_581 = arith.constant 16 : i32
    %shift_right_arithmetic3A_582 = vector.broadcast %shift_right_arithmetic3A_581 : i32 to vector<16xi32>
    %shift_right_arithmetic3A_583 = arith.shrsi %shift_left3A_580, %shift_right_arithmetic3A_582 : vector<16xi32>
    %shift_right_arithmetic3A_584 = arith.constant 16 : i32
    %shift_right_arithmetic3A_585 = vector.broadcast %shift_right_arithmetic3A_584 : i32 to vector<16xi32>
    %shift_right_arithmetic3A_586 = arith.shrsi %gather3A_569, %shift_right_arithmetic3A_585 : vector<16xi32>
    %jit3A_587 = arith.constant 0 : i32
    %jit3A_588 = arith.constant 31 : i32
    %max3A_589 = vector.broadcast %jit3A_587 : i32 to vector<16xi32>
    %max3A_590 = arith.maxsi %max3A_589, %gather3A_573 : vector<16xi32>
    %min3A_591 = vector.broadcast %jit3A_588 : i32 to vector<16xi32>
    %min3A_592 = arith.minsi %min3A_591, %max3A_590 : vector<16xi32>
    %mul3A_593 = arith.constant 32 : i32
    %mul3A_594 = vector.broadcast %mul3A_593 : i32 to vector<16xi32>
    %mul3A_595 = arith.muli %add3A_486, %mul3A_594 : vector<16xi32>
    %add3A_596 = arith.addi %mul3A_595, %min3A_592 : vector<16xi32>
    %gather3A_597 = tpu.vector_load_idx %arg11[%add3A_596] : memref<2048xf32, #tpu.memory_space<vmem>>[vector<16xi32>], vector<16xf32>,
    %eq3A_598 = arith.constant -1 : i32
    %eq3A_599 = vector.broadcast %eq3A_598 : i32 to vector<16xi32>
    %eq3A_600 = arith.cmpi eq, %gather3A_569, %eq3A_599 : vector<16xi32>
    %le3A_601 = arith.cmpf ole, %gather3A_597, %gather3A_577 : vector<16xf32>
    %select_n3A_602 = arith.select %le3A_601, %shift_right_arithmetic3A_583, %shift_right_arithmetic3A_586 : vector<16xi1>, vector<16xi32>
    %select_n3A_603 = arith.select %eq3A_600, %select_n3A_565, %select_n3A_602 : vector<16xi1>, vector<16xi32>
    %add3A_604 = arith.constant 256 : i32
    %add3A_605 = vector.broadcast %add3A_604 : i32 to vector<16xi32>
    %add3A_606 = arith.addi %select_n3A_603, %add3A_605 : vector<16xi32>
    %gather3A_607 = tpu.vector_load_idx %arg9[%add3A_606] : memref<320xi32, #tpu.memory_space<vmem>>[vector<16xi32>], vector<16xi32>,
    %add3A_608 = arith.constant 192 : i32
    %add3A_609 = vector.broadcast %add3A_608 : i32 to vector<16xi32>
    %add3A_610 = arith.addi %select_n3A_603, %add3A_609 : vector<16xi32>
    %gather3A_611 = tpu.vector_load_idx %arg9[%add3A_610] : memref<320xi32, #tpu.memory_space<vmem>>[vector<16xi32>], vector<16xi32>,
    %add3A_612 = arith.constant 64 : i32
    %add3A_613 = vector.broadcast %add3A_612 : i32 to vector<16xi32>
    %add3A_614 = arith.addi %select_n3A_603, %add3A_613 : vector<16xi32>
    %gather3A_615 = tpu.vector_load_idx %arg10[%add3A_614] : memref<128xf32, #tpu.memory_space<vmem>>[vector<16xi32>], vector<16xf32>,
    %shift_left3A_616 = arith.constant 16 : i32
    %shift_left3A_617 = vector.broadcast %shift_left3A_616 : i32 to vector<16xi32>
    %shift_left3A_618 = arith.shli %gather3A_607, %shift_left3A_617 : vector<16xi32>
    %shift_right_arithmetic3A_619 = arith.constant 16 : i32
    %shift_right_arithmetic3A_620 = vector.broadcast %shift_right_arithmetic3A_619 : i32 to vector<16xi32>
    %shift_right_arithmetic3A_621 = arith.shrsi %shift_left3A_618, %shift_right_arithmetic3A_620 : vector<16xi32>
    %shift_right_arithmetic3A_622 = arith.constant 16 : i32
    %shift_right_arithmetic3A_623 = vector.broadcast %shift_right_arithmetic3A_622 : i32 to vector<16xi32>
    %shift_right_arithmetic3A_624 = arith.shrsi %gather3A_607, %shift_right_arithmetic3A_623 : vector<16xi32>
    %jit3A_625 = arith.constant 0 : i32
    %jit3A_626 = arith.constant 31 : i32
    %max3A_627 = vector.broadcast %jit3A_625 : i32 to vector<16xi32>
    %max3A_628 = arith.maxsi %max3A_627, %gather3A_611 : vector<16xi32>
    %min3A_629 = vector.broadcast %jit3A_626 : i32 to vector<16xi32>
    %min3A_630 = arith.minsi %min3A_629, %max3A_628 : vector<16xi32>
    %mul3A_631 = arith.constant 32 : i32
    %mul3A_632 = vector.broadcast %mul3A_631 : i32 to vector<16xi32>
    %mul3A_633 = arith.muli %add3A_486, %mul3A_632 : vector<16xi32>
    %add3A_634 = arith.addi %mul3A_633, %min3A_630 : vector<16xi32>
    %gather3A_635 = tpu.vector_load_idx %arg11[%add3A_634] : memref<2048xf32, #tpu.memory_space<vmem>>[vector<16xi32>], vector<16xf32>,
    %eq3A_636 = arith.constant -1 : i32
    %eq3A_637 = vector.broadcast %eq3A_636 : i32 to vector<16xi32>
    %eq3A_638 = arith.cmpi eq, %gather3A_607, %eq3A_637 : vector<16xi32>
    %le3A_639 = arith.cmpf ole, %gather3A_635, %gather3A_615 : vector<16xf32>
    %select_n3A_640 = arith.select %le3A_639, %shift_right_arithmetic3A_621, %shift_right_arithmetic3A_624 : vector<16xi1>, vector<16xi32>
    %select_n3A_641 = arith.select %eq3A_638, %select_n3A_603, %select_n3A_640 : vector<16xi1>, vector<16xi32>
    %add3A_642 = arith.constant 256 : i32
    %add3A_643 = vector.broadcast %add3A_642 : i32 to vector<16xi32>
    %add3A_644 = arith.addi %select_n3A_641, %add3A_643 : vector<16xi32>
    %gather3A_645 = tpu.vector_load_idx %arg9[%add3A_644] : memref<320xi32, #tpu.memory_space<vmem>>[vector<16xi32>], vector<16xi32>,
    %add3A_646 = arith.constant 192 : i32
    %add3A_647 = vector.broadcast %add3A_646 : i32 to vector<16xi32>
    %add3A_648 = arith.addi %select_n3A_641, %add3A_647 : vector<16xi32>
    %gather3A_649 = tpu.vector_load_idx %arg9[%add3A_648] : memref<320xi32, #tpu.memory_space<vmem>>[vector<16xi32>], vector<16xi32>,
    %add3A_650 = arith.constant 64 : i32
    %add3A_651 = vector.broadcast %add3A_650 : i32 to vector<16xi32>
    %add3A_652 = arith.addi %select_n3A_641, %add3A_651 : vector<16xi32>
    %gather3A_653 = tpu.vector_load_idx %arg10[%add3A_652] : memref<128xf32, #tpu.memory_space<vmem>>[vector<16xi32>], vector<16xf32>,
    %shift_left3A_654 = arith.constant 16 : i32
    %shift_left3A_655 = vector.broadcast %shift_left3A_654 : i32 to vector<16xi32>
    %shift_left3A_656 = arith.shli %gather3A_645, %shift_left3A_655 : vector<16xi32>
    %shift_right_arithmetic3A_657 = arith.constant 16 : i32
    %shift_right_arithmetic3A_658 = vector.broadcast %shift_right_arithmetic3A_657 : i32 to vector<16xi32>
    %shift_right_arithmetic3A_659 = arith.shrsi %shift_left3A_656, %shift_right_arithmetic3A_658 : vector<16xi32>
    %shift_right_arithmetic3A_660 = arith.constant 16 : i32
    %shift_right_arithmetic3A_661 = vector.broadcast %shift_right_arithmetic3A_660 : i32 to vector<16xi32>
    %shift_right_arithmetic3A_662 = arith.shrsi %gather3A_645, %shift_right_arithmetic3A_661 : vector<16xi32>
    %jit3A_663 = arith.constant 0 : i32
    %jit3A_664 = arith.constant 31 : i32
    %max3A_665 = vector.broadcast %jit3A_663 : i32 to vector<16xi32>
    %max3A_666 = arith.maxsi %max3A_665, %gather3A_649 : vector<16xi32>
    %min3A_667 = vector.broadcast %jit3A_664 : i32 to vector<16xi32>
    %min3A_668 = arith.minsi %min3A_667, %max3A_666 : vector<16xi32>
    %mul3A_669 = arith.constant 32 : i32
    %mul3A_670 = vector.broadcast %mul3A_669 : i32 to vector<16xi32>
    %mul3A_671 = arith.muli %add3A_486, %mul3A_670 : vector<16xi32>
    %add3A_672 = arith.addi %mul3A_671, %min3A_668 : vector<16xi32>
    %gather3A_673 = tpu.vector_load_idx %arg11[%add3A_672] : memref<2048xf32, #tpu.memory_space<vmem>>[vector<16xi32>], vector<16xf32>,
    %eq3A_674 = arith.constant -1 : i32
    %eq3A_675 = vector.broadcast %eq3A_674 : i32 to vector<16xi32>
    %eq3A_676 = arith.cmpi eq, %gather3A_645, %eq3A_675 : vector<16xi32>
    %le3A_677 = arith.cmpf ole, %gather3A_673, %gather3A_653 : vector<16xf32>
    %select_n3A_678 = arith.select %le3A_677, %shift_right_arithmetic3A_659, %shift_right_arithmetic3A_662 : vector<16xi1>, vector<16xi32>
    %select_n3A_679 = arith.select %eq3A_676, %select_n3A_641, %select_n3A_678 : vector<16xi1>, vector<16xi32>
    %gather3A_680 = tpu.vector_load_idx %arg10[%select_n3A_679] : memref<128xf32, #tpu.memory_space<vmem>>[vector<16xi32>], vector<16xf32>,
    %swap3A_681 = arith.constant 32 : index
    %swap3A_682 = tpu.vector_load %arg12[%swap3A_681] {strides = array<i32>} : memref<64xf32, #tpu.memory_space<vmem>>, vector<16xf32>,
    tpu.vector_store %arg12[%swap3A_681], %gather3A_680 {strides = array<i32>} : memref<64xf32, #tpu.memory_space<vmem>>, vector<16xf32>,
    %add3A_683 = arith.constant 48 : i32
    %add3A_684 = vector.broadcast %add3A_683 : i32 to vector<16xi32>
    %add3A_685 = arith.addi %iota3A, %add3A_684 : vector<16xi32>
    %mul3A_686 = arith.constant 0 : i32
    %mul3A_687 = vector.broadcast %mul3A_686 : i32 to vector<16xi32>
    %mul3A_688 = arith.muli %iota3A, %mul3A_687 : vector<16xi32>
    %add3A_689 = arith.constant 256 : i32
    %add3A_690 = vector.broadcast %add3A_689 : i32 to vector<16xi32>
    %add3A_691 = arith.addi %mul3A_688, %add3A_690 : vector<16xi32>
    %gather3A_692 = tpu.vector_load_idx %arg9[%add3A_691] : memref<320xi32, #tpu.memory_space<vmem>>[vector<16xi32>], vector<16xi32>,
    %add3A_693 = arith.constant 192 : i32
    %add3A_694 = vector.broadcast %add3A_693 : i32 to vector<16xi32>
    %add3A_695 = arith.addi %mul3A_688, %add3A_694 : vector<16xi32>
    %gather3A_696 = tpu.vector_load_idx %arg9[%add3A_695] : memref<320xi32, #tpu.memory_space<vmem>>[vector<16xi32>], vector<16xi32>,
    %add3A_697 = arith.constant 64 : i32
    %add3A_698 = vector.broadcast %add3A_697 : i32 to vector<16xi32>
    %add3A_699 = arith.addi %mul3A_688, %add3A_698 : vector<16xi32>
    %gather3A_700 = tpu.vector_load_idx %arg10[%add3A_699] : memref<128xf32, #tpu.memory_space<vmem>>[vector<16xi32>], vector<16xf32>,
    %shift_left3A_701 = arith.constant 16 : i32
    %shift_left3A_702 = vector.broadcast %shift_left3A_701 : i32 to vector<16xi32>
    %shift_left3A_703 = arith.shli %gather3A_692, %shift_left3A_702 : vector<16xi32>
    %shift_right_arithmetic3A_704 = arith.constant 16 : i32
    %shift_right_arithmetic3A_705 = vector.broadcast %shift_right_arithmetic3A_704 : i32 to vector<16xi32>
    %shift_right_arithmetic3A_706 = arith.shrsi %shift_left3A_703, %shift_right_arithmetic3A_705 : vector<16xi32>
    %shift_right_arithmetic3A_707 = arith.constant 16 : i32
    %shift_right_arithmetic3A_708 = vector.broadcast %shift_right_arithmetic3A_707 : i32 to vector<16xi32>
    %shift_right_arithmetic3A_709 = arith.shrsi %gather3A_692, %shift_right_arithmetic3A_708 : vector<16xi32>
    %jit3A_710 = arith.constant 0 : i32
    %jit3A_711 = arith.constant 31 : i32
    %max3A_712 = vector.broadcast %jit3A_710 : i32 to vector<16xi32>
    %max3A_713 = arith.maxsi %max3A_712, %gather3A_696 : vector<16xi32>
    %min3A_714 = vector.broadcast %jit3A_711 : i32 to vector<16xi32>
    %min3A_715 = arith.minsi %min3A_714, %max3A_713 : vector<16xi32>
    %mul3A_716 = arith.constant 32 : i32
    %mul3A_717 = vector.broadcast %mul3A_716 : i32 to vector<16xi32>
    %mul3A_718 = arith.muli %add3A_685, %mul3A_717 : vector<16xi32>
    %add3A_719 = arith.addi %mul3A_718, %min3A_715 : vector<16xi32>
    %gather3A_720 = tpu.vector_load_idx %arg11[%add3A_719] : memref<2048xf32, #tpu.memory_space<vmem>>[vector<16xi32>], vector<16xf32>,
    %eq3A_721 = arith.constant -1 : i32
    %eq3A_722 = vector.broadcast %eq3A_721 : i32 to vector<16xi32>
    %eq3A_723 = arith.cmpi eq, %gather3A_692, %eq3A_722 : vector<16xi32>
    %le3A_724 = arith.cmpf ole, %gather3A_720, %gather3A_700 : vector<16xf32>
    %select_n3A_725 = arith.select %le3A_724, %shift_right_arithmetic3A_706, %shift_right_arithmetic3A_709 : vector<16xi1>, vector<16xi32>
    %select_n3A_726 = arith.select %eq3A_723, %mul3A_688, %select_n3A_725 : vector<16xi1>, vector<16xi32>
    %add3A_727 = arith.constant 256 : i32
    %add3A_728 = vector.broadcast %add3A_727 : i32 to vector<16xi32>
    %add3A_729 = arith.addi %select_n3A_726, %add3A_728 : vector<16xi32>
    %gather3A_730 = tpu.vector_load_idx %arg9[%add3A_729] : memref<320xi32, #tpu.memory_space<vmem>>[vector<16xi32>], vector<16xi32>,
    %add3A_731 = arith.constant 192 : i32
    %add3A_732 = vector.broadcast %add3A_731 : i32 to vector<16xi32>
    %add3A_733 = arith.addi %select_n3A_726, %add3A_732 : vector<16xi32>
    %gather3A_734 = tpu.vector_load_idx %arg9[%add3A_733] : memref<320xi32, #tpu.memory_space<vmem>>[vector<16xi32>], vector<16xi32>,
    %add3A_735 = arith.constant 64 : i32
    %add3A_736 = vector.broadcast %add3A_735 : i32 to vector<16xi32>
    %add3A_737 = arith.addi %select_n3A_726, %add3A_736 : vector<16xi32>
    %gather3A_738 = tpu.vector_load_idx %arg10[%add3A_737] : memref<128xf32, #tpu.memory_space<vmem>>[vector<16xi32>], vector<16xf32>,
    %shift_left3A_739 = arith.constant 16 : i32
    %shift_left3A_740 = vector.broadcast %shift_left3A_739 : i32 to vector<16xi32>
    %shift_left3A_741 = arith.shli %gather3A_730, %shift_left3A_740 : vector<16xi32>
    %shift_right_arithmetic3A_742 = arith.constant 16 : i32
    %shift_right_arithmetic3A_743 = vector.broadcast %shift_right_arithmetic3A_742 : i32 to vector<16xi32>
    %shift_right_arithmetic3A_744 = arith.shrsi %shift_left3A_741, %shift_right_arithmetic3A_743 : vector<16xi32>
    %shift_right_arithmetic3A_745 = arith.constant 16 : i32
    %shift_right_arithmetic3A_746 = vector.broadcast %shift_right_arithmetic3A_745 : i32 to vector<16xi32>
    %shift_right_arithmetic3A_747 = arith.shrsi %gather3A_730, %shift_right_arithmetic3A_746 : vector<16xi32>
    %jit3A_748 = arith.constant 0 : i32
    %jit3A_749 = arith.constant 31 : i32
    %max3A_750 = vector.broadcast %jit3A_748 : i32 to vector<16xi32>
    %max3A_751 = arith.maxsi %max3A_750, %gather3A_734 : vector<16xi32>
    %min3A_752 = vector.broadcast %jit3A_749 : i32 to vector<16xi32>
    %min3A_753 = arith.minsi %min3A_752, %max3A_751 : vector<16xi32>
    %mul3A_754 = arith.constant 32 : i32
    %mul3A_755 = vector.broadcast %mul3A_754 : i32 to vector<16xi32>
    %mul3A_756 = arith.muli %add3A_685, %mul3A_755 : vector<16xi32>
    %add3A_757 = arith.addi %mul3A_756, %min3A_753 : vector<16xi32>
    %gather3A_758 = tpu.vector_load_idx %arg11[%add3A_757] : memref<2048xf32, #tpu.memory_space<vmem>>[vector<16xi32>], vector<16xf32>,
    %eq3A_759 = arith.constant -1 : i32
    %eq3A_760 = vector.broadcast %eq3A_759 : i32 to vector<16xi32>
    %eq3A_761 = arith.cmpi eq, %gather3A_730, %eq3A_760 : vector<16xi32>
    %le3A_762 = arith.cmpf ole, %gather3A_758, %gather3A_738 : vector<16xf32>
    %select_n3A_763 = arith.select %le3A_762, %shift_right_arithmetic3A_744, %shift_right_arithmetic3A_747 : vector<16xi1>, vector<16xi32>
    %select_n3A_764 = arith.select %eq3A_761, %select_n3A_726, %select_n3A_763 : vector<16xi1>, vector<16xi32>
    %add3A_765 = arith.constant 256 : i32
    %add3A_766 = vector.broadcast %add3A_765 : i32 to vector<16xi32>
    %add3A_767 = arith.addi %select_n3A_764, %add3A_766 : vector<16xi32>
    %gather3A_768 = tpu.vector_load_idx %arg9[%add3A_767] : memref<320xi32, #tpu.memory_space<vmem>>[vector<16xi32>], vector<16xi32>,
    %add3A_769 = arith.constant 192 : i32
    %add3A_770 = vector.broadcast %add3A_769 : i32 to vector<16xi32>
    %add3A_771 = arith.addi %select_n3A_764, %add3A_770 : vector<16xi32>
    %gather3A_772 = tpu.vector_load_idx %arg9[%add3A_771] : memref<320xi32, #tpu.memory_space<vmem>>[vector<16xi32>], vector<16xi32>,
    %add3A_773 = arith.constant 64 : i32
    %add3A_774 = vector.broadcast %add3A_773 : i32 to vector<16xi32>
    %add3A_775 = arith.addi %select_n3A_764, %add3A_774 : vector<16xi32>
    %gather3A_776 = tpu.vector_load_idx %arg10[%add3A_775] : memref<128xf32, #tpu.memory_space<vmem>>[vector<16xi32>], vector<16xf32>,
    %shift_left3A_777 = arith.constant 16 : i32
    %shift_left3A_778 = vector.broadcast %shift_left3A_777 : i32 to vector<16xi32>
    %shift_left3A_779 = arith.shli %gather3A_768, %shift_left3A_778 : vector<16xi32>
    %shift_right_arithmetic3A_780 = arith.constant 16 : i32
    %shift_right_arithmetic3A_781 = vector.broadcast %shift_right_arithmetic3A_780 : i32 to vector<16xi32>
    %shift_right_arithmetic3A_782 = arith.shrsi %shift_left3A_779, %shift_right_arithmetic3A_781 : vector<16xi32>
    %shift_right_arithmetic3A_783 = arith.constant 16 : i32
    %shift_right_arithmetic3A_784 = vector.broadcast %shift_right_arithmetic3A_783 : i32 to vector<16xi32>
    %shift_right_arithmetic3A_785 = arith.shrsi %gather3A_768, %shift_right_arithmetic3A_784 : vector<16xi32>
    %jit3A_786 = arith.constant 0 : i32
    %jit3A_787 = arith.constant 31 : i32
    %max3A_788 = vector.broadcast %jit3A_786 : i32 to vector<16xi32>
    %max3A_789 = arith.maxsi %max3A_788, %gather3A_772 : vector<16xi32>
    %min3A_790 = vector.broadcast %jit3A_787 : i32 to vector<16xi32>
    %min3A_791 = arith.minsi %min3A_790, %max3A_789 : vector<16xi32>
    %mul3A_792 = arith.constant 32 : i32
    %mul3A_793 = vector.broadcast %mul3A_792 : i32 to vector<16xi32>
    %mul3A_794 = arith.muli %add3A_685, %mul3A_793 : vector<16xi32>
    %add3A_795 = arith.addi %mul3A_794, %min3A_791 : vector<16xi32>
    %gather3A_796 = tpu.vector_load_idx %arg11[%add3A_795] : memref<2048xf32, #tpu.memory_space<vmem>>[vector<16xi32>], vector<16xf32>,
    %eq3A_797 = arith.constant -1 : i32
    %eq3A_798 = vector.broadcast %eq3A_797 : i32 to vector<16xi32>
    %eq3A_799 = arith.cmpi eq, %gather3A_768, %eq3A_798 : vector<16xi32>
    %le3A_800 = arith.cmpf ole, %gather3A_796, %gather3A_776 : vector<16xf32>
    %select_n3A_801 = arith.select %le3A_800, %shift_right_arithmetic3A_782, %shift_right_arithmetic3A_785 : vector<16xi1>, vector<16xi32>
    %select_n3A_802 = arith.select %eq3A_799, %select_n3A_764, %select_n3A_801 : vector<16xi1>, vector<16xi32>
    %add3A_803 = arith.constant 256 : i32
    %add3A_804 = vector.broadcast %add3A_803 : i32 to vector<16xi32>
    %add3A_805 = arith.addi %select_n3A_802, %add3A_804 : vector<16xi32>
    %gather3A_806 = tpu.vector_load_idx %arg9[%add3A_805] : memref<320xi32, #tpu.memory_space<vmem>>[vector<16xi32>], vector<16xi32>,
    %add3A_807 = arith.constant 192 : i32
    %add3A_808 = vector.broadcast %add3A_807 : i32 to vector<16xi32>
    %add3A_809 = arith.addi %select_n3A_802, %add3A_808 : vector<16xi32>
    %gather3A_810 = tpu.vector_load_idx %arg9[%add3A_809] : memref<320xi32, #tpu.memory_space<vmem>>[vector<16xi32>], vector<16xi32>,
    %add3A_811 = arith.constant 64 : i32
    %add3A_812 = vector.broadcast %add3A_811 : i32 to vector<16xi32>
    %add3A_813 = arith.addi %select_n3A_802, %add3A_812 : vector<16xi32>
    %gather3A_814 = tpu.vector_load_idx %arg10[%add3A_813] : memref<128xf32, #tpu.memory_space<vmem>>[vector<16xi32>], vector<16xf32>,
    %shift_left3A_815 = arith.constant 16 : i32
    %shift_left3A_816 = vector.broadcast %shift_left3A_815 : i32 to vector<16xi32>
    %shift_left3A_817 = arith.shli %gather3A_806, %shift_left3A_816 : vector<16xi32>
    %shift_right_arithmetic3A_818 = arith.constant 16 : i32
    %shift_right_arithmetic3A_819 = vector.broadcast %shift_right_arithmetic3A_818 : i32 to vector<16xi32>
    %shift_right_arithmetic3A_820 = arith.shrsi %shift_left3A_817, %shift_right_arithmetic3A_819 : vector<16xi32>
    %shift_right_arithmetic3A_821 = arith.constant 16 : i32
    %shift_right_arithmetic3A_822 = vector.broadcast %shift_right_arithmetic3A_821 : i32 to vector<16xi32>
    %shift_right_arithmetic3A_823 = arith.shrsi %gather3A_806, %shift_right_arithmetic3A_822 : vector<16xi32>
    %jit3A_824 = arith.constant 0 : i32
    %jit3A_825 = arith.constant 31 : i32
    %max3A_826 = vector.broadcast %jit3A_824 : i32 to vector<16xi32>
    %max3A_827 = arith.maxsi %max3A_826, %gather3A_810 : vector<16xi32>
    %min3A_828 = vector.broadcast %jit3A_825 : i32 to vector<16xi32>
    %min3A_829 = arith.minsi %min3A_828, %max3A_827 : vector<16xi32>
    %mul3A_830 = arith.constant 32 : i32
    %mul3A_831 = vector.broadcast %mul3A_830 : i32 to vector<16xi32>
    %mul3A_832 = arith.muli %add3A_685, %mul3A_831 : vector<16xi32>
    %add3A_833 = arith.addi %mul3A_832, %min3A_829 : vector<16xi32>
    %gather3A_834 = tpu.vector_load_idx %arg11[%add3A_833] : memref<2048xf32, #tpu.memory_space<vmem>>[vector<16xi32>], vector<16xf32>,
    %eq3A_835 = arith.constant -1 : i32
    %eq3A_836 = vector.broadcast %eq3A_835 : i32 to vector<16xi32>
    %eq3A_837 = arith.cmpi eq, %gather3A_806, %eq3A_836 : vector<16xi32>
    %le3A_838 = arith.cmpf ole, %gather3A_834, %gather3A_814 : vector<16xf32>
    %select_n3A_839 = arith.select %le3A_838, %shift_right_arithmetic3A_820, %shift_right_arithmetic3A_823 : vector<16xi1>, vector<16xi32>
    %select_n3A_840 = arith.select %eq3A_837, %select_n3A_802, %select_n3A_839 : vector<16xi1>, vector<16xi32>
    %add3A_841 = arith.constant 256 : i32
    %add3A_842 = vector.broadcast %add3A_841 : i32 to vector<16xi32>
    %add3A_843 = arith.addi %select_n3A_840, %add3A_842 : vector<16xi32>
    %gather3A_844 = tpu.vector_load_idx %arg9[%add3A_843] : memref<320xi32, #tpu.memory_space<vmem>>[vector<16xi32>], vector<16xi32>,
    %add3A_845 = arith.constant 192 : i32
    %add3A_846 = vector.broadcast %add3A_845 : i32 to vector<16xi32>
    %add3A_847 = arith.addi %select_n3A_840, %add3A_846 : vector<16xi32>
    %gather3A_848 = tpu.vector_load_idx %arg9[%add3A_847] : memref<320xi32, #tpu.memory_space<vmem>>[vector<16xi32>], vector<16xi32>,
    %add3A_849 = arith.constant 64 : i32
    %add3A_850 = vector.broadcast %add3A_849 : i32 to vector<16xi32>
    %add3A_851 = arith.addi %select_n3A_840, %add3A_850 : vector<16xi32>
    %gather3A_852 = tpu.vector_load_idx %arg10[%add3A_851] : memref<128xf32, #tpu.memory_space<vmem>>[vector<16xi32>], vector<16xf32>,
    %shift_left3A_853 = arith.constant 16 : i32
    %shift_left3A_854 = vector.broadcast %shift_left3A_853 : i32 to vector<16xi32>
    %shift_left3A_855 = arith.shli %gather3A_844, %shift_left3A_854 : vector<16xi32>
    %shift_right_arithmetic3A_856 = arith.constant 16 : i32
    %shift_right_arithmetic3A_857 = vector.broadcast %shift_right_arithmetic3A_856 : i32 to vector<16xi32>
    %shift_right_arithmetic3A_858 = arith.shrsi %shift_left3A_855, %shift_right_arithmetic3A_857 : vector<16xi32>
    %shift_right_arithmetic3A_859 = arith.constant 16 : i32
    %shift_right_arithmetic3A_860 = vector.broadcast %shift_right_arithmetic3A_859 : i32 to vector<16xi32>
    %shift_right_arithmetic3A_861 = arith.shrsi %gather3A_844, %shift_right_arithmetic3A_860 : vector<16xi32>
    %jit3A_862 = arith.constant 0 : i32
    %jit3A_863 = arith.constant 31 : i32
    %max3A_864 = vector.broadcast %jit3A_862 : i32 to vector<16xi32>
    %max3A_865 = arith.maxsi %max3A_864, %gather3A_848 : vector<16xi32>
    %min3A_866 = vector.broadcast %jit3A_863 : i32 to vector<16xi32>
    %min3A_867 = arith.minsi %min3A_866, %max3A_865 : vector<16xi32>
    %mul3A_868 = arith.constant 32 : i32
    %mul3A_869 = vector.broadcast %mul3A_868 : i32 to vector<16xi32>
    %mul3A_870 = arith.muli %add3A_685, %mul3A_869 : vector<16xi32>
    %add3A_871 = arith.addi %mul3A_870, %min3A_867 : vector<16xi32>
    %gather3A_872 = tpu.vector_load_idx %arg11[%add3A_871] : memref<2048xf32, #tpu.memory_space<vmem>>[vector<16xi32>], vector<16xf32>,
    %eq3A_873 = arith.constant -1 : i32
    %eq3A_874 = vector.broadcast %eq3A_873 : i32 to vector<16xi32>
    %eq3A_875 = arith.cmpi eq, %gather3A_844, %eq3A_874 : vector<16xi32>
    %le3A_876 = arith.cmpf ole, %gather3A_872, %gather3A_852 : vector<16xf32>
    %select_n3A_877 = arith.select %le3A_876, %shift_right_arithmetic3A_858, %shift_right_arithmetic3A_861 : vector<16xi1>, vector<16xi32>
    %select_n3A_878 = arith.select %eq3A_875, %select_n3A_840, %select_n3A_877 : vector<16xi1>, vector<16xi32>
    %gather3A_879 = tpu.vector_load_idx %arg10[%select_n3A_878] : memref<128xf32, #tpu.memory_space<vmem>>[vector<16xi32>], vector<16xf32>,
    %swap3A_880 = arith.constant 48 : index
    %swap3A_881 = tpu.vector_load %arg12[%swap3A_880] {strides = array<i32>} : memref<64xf32, #tpu.memory_space<vmem>>, vector<16xf32>,
    tpu.vector_store %arg12[%swap3A_880], %gather3A_879 {strides = array<i32>} : memref<64xf32, #tpu.memory_space<vmem>>, vector<16xf32>,
    "tpu.region"() ({
      %run_scoped3A = tpu.sem_alloc : memref<!tpu.dma_semaphore, #tpu.memory_space<semaphore_mem>>
      %dma_start3A_882 = tpu.memref_slice %arg8[%mul3A_2] : memref<1024xf32, #tpu.memory_space<hbm>> -> memref<64xf32, #tpu.memory_space<hbm>>
      %dma_start3A_883 = tpu.memref_slice %arg8[%mul3A_2] : memref<1024xf32, #tpu.memory_space<hbm>> -> memref<64xf32, #tpu.memory_space<hbm>>
      tpu.enqueue_dma source(%arg12 : memref<64xf32, #tpu.memory_space<vmem>>) target(%dma_start3A_883 : memref<64xf32, #tpu.memory_space<hbm>>) target_semaphore(%run_scoped3A : memref<!tpu.dma_semaphore, #tpu.memory_space<semaphore_mem>>)
      %dma_wait3A_884 = tpu.memref_slice %arg8[%mul3A_2] : memref<1024xf32, #tpu.memory_space<hbm>> -> memref<64xf32, #tpu.memory_space<hbm>>
      %dma_wait3A_885 = tpu.memref_slice %arg8[%mul3A_2] : memref<1024xf32, #tpu.memory_space<hbm>> -> memref<64xf32, #tpu.memory_space<hbm>>
      tpu.wait_dma2 semaphore(%run_scoped3A : memref<!tpu.dma_semaphore, #tpu.memory_space<semaphore_mem>>) src(%arg12 : memref<64xf32, #tpu.memory_space<vmem>>) dst(%dma_wait3A_885 : memref<64xf32, #tpu.memory_space<hbm>>)
      tpu.yield
    }) : () -> ()
    return
  }
}

</mosaic_0001>

<sc_bundles>
// kernel: kernel.3.cloned.1.call-start
scs
__scs_entry_jumppad:
0x0: {  	(pc) =	sbr.rel $0x88, $3  }
0x1: {  	(tag) =	ssettag $0x0;
	lr =	simm.s32 $0x1  }
0x2: {  	[smem:$0x3F9B] =	sst lr;
	_ =	strace $0xD0000000  }
0x3: {  	_ = 	snop  }
0x4: {  	_ = 	snop  }
0x5: {  	_ = 	snop  }
0x6: {  	_ = 	snop  }
0x7: {  	_ = 	snop  }
__scs_overlays_trampoline_lowered:
0x8: {  	[smem:$0x3FAA] =	sst s0  }
0x9: {  	[smem:$0x3FAB] =	sst s1  }
0xa: {  	[smem:$0x3FAC] =	sst s2  }
0xb: {  	[smem:$0x3FAD] =	sst s3  }
0xc: {  	[smem:$0x3FAE] =	sst s4  }
0xd: {  	[smem:$0x3FAF] =	sst s5  }
0xe: {  	[smem:$0x3FB0] =	sst s6  }
0xf: {  	[smem:$0x3FB1] =	sst s7  }
0x10: {  	[smem:$0x3FB2] =	sst s8  }
0x11: {  	[smem:$0x3FB3] =	sst s9;
	s0 =	simm.s32 @!p0 $0x0  }
0x12: {  	s1 =	sld [smem:$0x3F99];
	s0 =	simm.s32 @p0 $0x1  }
0x13: {  	[smem:$0x3FB4] =	sst s0;
	s0 =	simm.s32 @!p1 $0x0  }
0x14: {  	s2 =	sld [smem:$0x3F98];
	s0 =	simm.s32 @p1 $0x1  }
0x15: {  	[smem:$0x3FB5] =	sst s0;
	s0 =	simm.s32 @!p2 $0x0  }
0x16: {  	s3 =	sld [smem:$0x3FDB];
	s0 =	simm.s32 @p2 $0x1  }
0x17: {  	s4 =	simm.s32 $0x1BF5;
	[smem:$0x3FB7] =	sst s0  }
0x18: {  	s0 =	sld [smem:$0x3F9A];
	_ =	swait.ge [sflag:s4], $0x0  }
0x19: {  	s7 =	sld [smem:$0x3F9B]  }
0x1a: {  	s8 =	sadd.s32 $0xFFFFE003, lr  }
0x1b: {  	s9 =	sadd.s32 $0xFFFFFEF7, lr;
	s5 =	simm.s32 $0xFFFFFFFF;
	p2 =	slt.u32 s8, $0xFFFFF086  }
0x1c: {  	p1 =	slt.u32 s9, $0xF7A;
	s5 =	simm.s32 @!p2 $0x0  }
0x1d: {  	s5 =	simm.s32 @p1 $0x1;
	p0 =	seq.s32 s7, s2  }
0x1e: {  	s7 =	smul.u32 @!p0 $0xF7A, s2;
	p2 =	seq.s32 @!p0 s5, $0x0  }
0x1f: {  	s9 =	smul.u32 $0xF7A, s1;
	s8 =	simm.s32 @!p0 $0x1BF5;
	p2 =	por !p2, p0  }
0x20: {  	[sflag:s8] =	ssyncset.s32 @!p0 $0xFFFFF086;
	s6 =	sadd.s32 @!p0 s3, s7;
	s7 =	simm.s32 @!p0 $0x108  }
0x21: {  	s3 =	sadd.s32 s3, s9;
	s6 =	sadd.s32 @!p0 $0x88, s6;
	s7 =	simm.s32 @p2 $0x1082  }
0x22: {  	[simem:s7], [sflag:s8] =	dma.local @!p0 [hbm:s6], $0xF7A  }
0x23: {  	s9 =	sor.u32 $0xD0000000, s2;
	s6 =	simm.s32 $0x108;
	_ =	swait.ge @!p0 [sflag:s8], $0x0  }
0x24: {  	s3 =	sadd.s32 $0x88, s3;
	s6 =	simm.s32 @!p1 $0x1082;
	[sflag:s4] =	ssyncset.s32 $0xFFFFF086  }
0x25: {  	[simem:s6], [sflag:s4] =	dma.local [hbm:s3], $0xF7A  }
0x26: {  	[smem:$0x3F9B] =	sst s1;
	(tag) =	ssettag s2;
	_ =	strace s9  }
0x27: {  	s1 =	sld [smem:$0x3FAB]  }
0x28: {  	s2 =	sld [smem:$0x3FAC]  }
0x29: {  	s4 =	sld [smem:$0x3FAE]  }
0x2a: {  	p0 =	seq.s32 s5, $0x0;
	s5 =	sld [smem:$0x3FAF]  }
0x2b: {  	s6 =	sld [smem:$0x3FB0]  }
0x2c: {  	s7 =	sld [smem:$0x3FB1]  }
0x2d: {  	s3 =	simm.s32 $0x108;
	s8 =	sld [smem:$0x3FB2]  }
0x2e: {  	s3 =	simm.s32 @!p0 $0x1082;
	s9 =	sld [smem:$0x3FB3]  }
0x2f: {  	lr =	sadd.s32 s0, s3;
	s0 =	sld [smem:$0x3FAA]  }
0x30: {  	s3 =	sld [smem:$0x3FAD]  }
0x31: {  	[smem:$0x3FB6] =	sst s10  }
0x32: {  	s10 =	sld [smem:$0x3FB4];
	_ =	sdelay $0x3  }
0x33: {  	p0 =	seq.s32 s10, $0x1;
	s10 =	sld [smem:$0x3FB6];
	_ =	sdelay $0x3  }
0x34: {  	[smem:$0x3FB6] =	sst s10  }
0x35: {  	s10 =	sld [smem:$0x3FB5];
	_ =	sdelay $0x3  }
0x36: {  	p1 =	seq.s32 s10, $0x1;
	s10 =	sld [smem:$0x3FB6];
	_ =	sdelay $0x3  }
0x37: {  	[smem:$0x3FB6] =	sst s10  }
0x38: {  	s10 =	sld [smem:$0x3FB7]  }
0x39: {  	_ = 	snop;
	(pc) =	sbr.ind lr, $3  }
0x3a: {  	_ = 	snop  }
0x3b: {  	_ = 	snop  }
0x3c: {  	p2 =	seq.s32 s10, $0x1;
	s10 =	sld [smem:$0x3FB6]  }
0x3d: {  	_ =	shalt  }
0x3e: {  	_ =	shalt  }
0x3f: {  	_ =	shalt  }
0x40: {  	_ =	shalt  }
0x41: {  	_ =	shalt  }
0x42: {  	_ =	shalt  }
0x43: {  	_ =	shalt  }
0x44: {  	_ =	shalt  }
0x45: {  	_ =	shalt  }
0x46: {  	_ =	shalt  }
0x47: {  	_ =	shalt  }
0x48: {  	_ =	shalt  }
0x49: {  	_ =	shalt  }
0x4a: {  	_ =	shalt  }
0x4b: {  	_ =	shalt  }
0x4c: {  	_ =	shalt  }
0x4d: {  	_ =	shalt  }
0x4e: {  	_ =	shalt  }
0x4f: {  	_ =	shalt  }
0x50: {  	_ =	shalt  }
0x51: {  	_ =	shalt  }
0x52: {  	_ =	shalt  }
0x53: {  	_ =	shalt  }
0x54: {  	_ =	shalt  }
0x55: {  	_ =	shalt  }
0x56: {  	_ =	shalt  }
0x57: {  	_ =	shalt  }
0x58: {  	_ =	shalt  }
0x59: {  	_ =	shalt  }
0x5a: {  	_ =	shalt  }
0x5b: {  	_ =	shalt  }
0x5c: {  	_ =	shalt  }
0x5d: {  	_ =	shalt  }
0x5e: {  	_ =	shalt  }
0x5f: {  	_ =	shalt  }
0x60: {  	_ =	shalt  }
0x61: {  	_ =	shalt  }
0x62: {  	_ =	shalt  }
0x63: {  	_ =	shalt  }
0x64: {  	_ =	shalt  }
0x65: {  	_ =	shalt  }
0x66: {  	_ =	shalt  }
0x67: {  	_ =	shalt  }
0x68: {  	_ =	shalt  }
0x69: {  	_ =	shalt  }
0x6a: {  	_ =	shalt  }
0x6b: {  	_ =	shalt  }
0x6c: {  	_ =	shalt  }
0x6d: {  	_ =	shalt  }
0x6e: {  	_ =	shalt  }
0x6f: {  	_ =	shalt  }
0x70: {  	_ =	shalt  }
0x71: {  	_ =	shalt  }
0x72: {  	_ =	shalt  }
0x73: {  	_ =	shalt  }
0x74: {  	_ =	shalt  }
0x75: {  	_ =	shalt  }
0x76: {  	_ =	shalt  }
0x77: {  	_ =	shalt  }
0x78: {  	_ =	shalt  }
0x79: {  	_ =	shalt  }
0x7a: {  	_ =	shalt  }
0x7b: {  	_ =	shalt  }
0x7c: {  	_ =	shalt  }
0x7d: {  	_ =	shalt  }
0x7e: {  	_ =	shalt  }
0x7f: {  	_ =	shalt  }
0x80: {  	_ =	shalt  }
0x81: {  	_ =	shalt  }
0x82: {  	_ =	shalt  }
0x83: {  	_ =	shalt  }
0x84: {  	_ =	shalt  }
0x85: {  	_ =	shalt  }
0x86: {  	_ =	shalt  }
0x87: {  	_ =	shalt  }
.Lfunc_end0:
.L_simem_size_0:
called_computation_lowered:
.L_overlay_start_0:
0x88: {  	s0 =	sld [smem:$0x3FD9]  }
0x89: {  	s1 =	sld [smem:$0x3FFE];
	_ =	sdelay $0x3  }
0x8a: {  	s0 =	sadd.s32 s1, s0  }
0x8b: {  	[smem:$0x3FC2] =	sst s0  }
0x8c: {  	_ = 	snop  }
0x8d: {  	s0 =	sld [smem:$0x3FC8]  }
0x8e: {  	s16 =	sld [smem:$0x3FC7]  }
0x8f: {  	s2 =	sld [smem:$0x3FC6]  }
0x90: {  	s3 =	sld [smem:$0x3FC5]  }
0x91: {  	s4 =	sld [smem:$0x3FC4]  }
0x92: {  	s5 =	sld [smem:$0x3FD0];
	(tm) =	ssettm $0x1  }
0x93: {  	s6 =	sld [smem:$0x3FFB];
	_ =	sdelay $0x3  }
0x94: {  	_ =	strace s6  }
0x95: {  	s6 =	sld [smem:$0x3FFC];
	_ =	sdelay $0x3  }
0x96: {  	_ =	strace s6  }
0x97: {  	s6 =	sld [smem:$0x3FFD];
	_ =	sdelay $0x3  }
0x98: {  	_ =	strace s6  }
0x99: {  	_ =	strace $0x8FFFFFFF  }
0x9a: {  	s17 =	sld [smem:$0x3FDB];
	_ =	sdelay $0x1  }
0x9b: {  	s7 =	simm.s32 $_scs_section_size  }
0x9c: {  	s8 =	simm.s32 $_size__tile_overlayer_lowered;
	s9 =	simm.s32 $_tile_overlayer_lowered  }
0x9d: {  	s20 =	simm.s32 $0x1BFF;
	s19 =	sshll.u32 s9, $0x1;
	s6 =	sadd.s32 s7, s17  }
0x9e: {  	s10 =	simm.s32 $0x0;
	s18 =	sshll.u32 s8, $0x1;
	s8 =	sadd.s32 s19, s6  }
0x9f: {  	[timem:s10], [sflag:s20] =	dma.local [hbm:s8], s18  }
0xa0: {  	_ =	swait.ge [sflag:s20], s18  }
0xa1: {  	s7 =	ssub.s32 $0x0, s18;
	[sflag:s20] =	ssyncset.done $0x0  }
0xa2: {  	[sflag:s20] =	ssyncadd.s32 s7;
	_ =	sdelay $0x1  }
0xa3: {  	s21 =	simm.s32 $0x1B8B  }
0xa4: {  	_ =	swait.ge [sflag:s21], $0x1  }
0xa5: {  	[sflag:s21] =	ssyncset.done $0x0  }
0xa6: {  	s23 =	simm.s32 $0x1B8E;
	s22 =	sld [smem:$0x3FFE];
	[sflag:s21] =	ssyncadd.s32 $0xFFFFFFFF  }
0xa7: {  	s24 =	simm.s32 $execute0_lowered;
	[smem:$0x3FD2] =	sst s23  }
0xa8: {  	s8 =	sshll.u32 s24, $0x1;
	_ =	strace $0x80000046;
	[dreg:$0x1] =	wrdreg $0xFFFFFFFF  }
0xa9: {  	s25 =	simm.s32 $_size_execute0_lowered;
	s6 =	sadd.s32 s6, s8;
	[dreg:$0x0] =	wrdreg $0x0  }
0xaa: {  	s8 =	sshll.u32 s25, $0x1;
	[dreg:$0x2] =	wrdreg s6  }
0xab: {  	[dreg:$0x3] =	wrdreg s8  }
0xac: {  	[dreg:$0x4] =	wrdreg $0xC0  }
0xad: {  	_ =	task [dreg:s10], $0x5FFFF  }
0xae: {  	[dreg:$0x1] =	wrdreg $0xFFFFFFFF  }
0xaf: {  	[dreg:$0x0] =	wrdreg $0x60  }
0xb0: {  	[dreg:$0x2] =	wrdreg s0  }
0xb1: {  	[dreg:$0x3] =	wrdreg s16  }
0xb2: {  	[dreg:$0x4] =	wrdreg s2  }
0xb3: {  	[dreg:$0x5] =	wrdreg s3  }
0xb4: {  	[dreg:$0x6] =	wrdreg s4  }
0xb5: {  	[dreg:$0x7] =	wrdreg s22  }
0xb6: {  	[dreg:$0x8] =	wrdreg s5  }
0xb7: {  	[dreg:$0x9] =	wrdreg $0x9  }
0xb8: {  	_ =	task.clear_ibuf [dreg:s10], $0xAFFFF;
	_ =	strace $0x90000046  }
0xb9: {  	s26 =	simm.s32 $0x9;
	_ =	strace $0x80000048  }
0xba: {  	_ =	swait.ge [sflag:s26], $0x1  }
0xbb: {  	[sflag:s26] =	ssyncadd.s32 $0xFFFFFFFF  }
0xbc: {  	_ =	strace $0x90000048  }
0xbd: {  	_ =	sfence  }
0xbe: {  	s28 =	sld [smem:$0x0];
	_ =	sdelay $0x1  }
0xbf: {  	s29 =	srdreg.scid  }
0xc0: {  	s30 =	sshll.u32 s29, $0xD;
	s31 =	sshrl.u32 s29, $0x2  }
0xc1: {  	s1 =	sand.u32 $0x1, s29;
	s2 =	sand.u32 $0x4000, s30;
	s0 =	sadd.s32 s31, s28  }
0xc2: {  	s1 =	sor.u32 s2, s1;
	s0 =	sshll.u32 s0, $0x11  }
0xc3: {  	s0 =	sor.u32 s0, s1  }
0xc4: {  	s0 =	sadd.s32 $0x8F2B, s0  }
0xc5: {  	[sflag:s0] =	ssyncadd.remote.s32 $0x1  }
0xc6: {  	_ =	sfence.sel $0xFFFF  }
0xc7: {  	[dreg:$0x0] =	wrdreg $0xFFFFFFFF;
	(pc) =	sbr.abs _section_cstart, $3  }
0xc8: {  	[dreg:$0x1] =	wrdreg $0xFFFFFFFF  }
0xc9: {  	_ =	task.clear_ibuf [dreg:s10], $0x2FFFF;
	_ =	strace $0x9FFFFFFF  }
0xca: {  	(tm) =	ssettm $0x7FFFFFFF  }
0xcb: {  	_ =	shalt  }
tec
execute0_lowered:
.L_overlay_start_1:
0x0: {  	(tag) =	ssettag $0x1  }
0x1: {  	s5 =	rddreg [dreg:$0x0]  }
0x2: {  	s6 =	rddreg [dreg:$0x1]  }
0x3: {  	s7 =	rddreg [dreg:$0x2]  }
0x4: {  	s8 =	rddreg [dreg:$0x3]  }
0x5: {  	s9 =	rddreg [dreg:$0x4]  }
0x6: {  	s4 =	rddreg [dreg:$0x5]  }
0x7: {  	s2 =	rddreg [dreg:$0x6];
	s1 =	stileid.u32  }
0x8: {  	s0 =	rddreg [dreg:$0x7];
	s3 =	simm.s32 $0x0;
	s10 =	sshll.u32 s1, $0x8  }
0x9: {  	[smem:$0x7FF] =	sst s3;
	s4 =	sadd.s32 s10, s4  }
0xa: {  	s20 =	simm.s32 $0x200;
	_ =	strace $0x80000047;
	s10 =	sadd.s32 $0x400, s4  }
0xb: {  	[tilespmem:s20], [sflag:$0x1] =	stream.linear.gather [hbm4b:s10+s3], $0x800, $0x38;
	[tilespmem:$0xA80] =	vst v63  }
0xc: {  	s21 =	simm.s32 $0x40  }
0xd: {  	[tilespmem:s21], [sflag:$0x2] =	stream.linear.gather [hbm4b:s5+s3], $0x3F, $0x38;
	[tilespmem:$0xA80] =	vst v63  }
0xe: {  	s22 =	simm.s32 $0x80  }
0xf: {  	[tilespmem:s22], [sflag:$0x2] =	stream.linear.gather [hbm4b:s6+s3], $0x3F, $0x38;
	[tilespmem:$0xA80] =	vst v63  }
0x10: {  	s23 =	simm.s32 $0xC0  }
0x11: {  	[tilespmem:s23], [sflag:$0x2] =	stream.linear.gather [hbm4b:s7+s3], $0x3F, $0x38;
	[tilespmem:$0xA80] =	vst v63  }
0x12: {  	s24 =	simm.s32 $0x180  }
0x13: {  	[tilespmem:s24], [sflag:$0x2] =	stream.linear.gather [hbm4b:s9+s3], $0x3F, $0x38;
	[tilespmem:$0xA80] =	vst v63  }
0x14: {  	s25 =	simm.s32 $0x1C0;
	s26 =	simm.s32 $0x2  }
0x15: {  	[tilespmem:s25], [sflag:$0x2] =	stream.linear.gather [hbm4b:s8+s3], $0x3F, $0x38;
	[tilespmem:$0xA80] =	vst v63  }
0x16: {  	_ =	swait.ge [sflag:s26], $0x3F  }
0x17: {  	[sflag:s26] =	ssyncset.done $0x0  }
0x18: {  	[sflag:s26] =	ssyncadd.s32 $0xFFFFFFC1  }
0x19: {  	_ =	swait.ge [sflag:s26], $0x3F  }
0x1a: {  	[sflag:s26] =	ssyncset.done $0x0  }
0x1b: {  	[sflag:s26] =	ssyncadd.s32 $0xFFFFFFC1  }
0x1c: {  	_ =	swait.ge [sflag:s26], $0x3F  }
0x1d: {  	[sflag:s26] =	ssyncset.done $0x0  }
0x1e: {  	[sflag:s26] =	ssyncadd.s32 $0xFFFFFFC1  }
0x1f: {  	_ =	swait.ge [sflag:s26], $0x3F  }
0x20: {  	[sflag:s26] =	ssyncset.done $0x0  }
0x21: {  	[sflag:s26] =	ssyncadd.s32 $0xFFFFFFC1  }
0x22: {  	_ =	swait.ge [sflag:s26], $0x3F  }
0x23: {  	[sflag:s26] =	ssyncset.done $0x0  }
0x24: {  	[sflag:s26] =	ssyncadd.s32 $0xFFFFFFC1  }
0x25: {  	v0 =	vld [tilespmem:$0x40]  }
0x26: {  	v1 =	vld [tilespmem:$0x80]  }
0x27: {  	v2 =	vld [tilespmem:$0x50]  }
0x28: {  	v3 =	vld [tilespmem:$0x90]  }
0x29: {  	v4 =	vld [tilespmem:$0x60]  }
0x2a: {  	v5 =	vld [tilespmem:$0xA0]  }
0x2b: {  	v6 =	vld [tilespmem:$0x70]  }
0x2c: {  	v7 =	vld [tilespmem:$0xB0];
	_ =	sdelay $0x1  }
0x2d: {  	v0 =	vand.u32 $0xFFFF, v0;
	v1 =	vshll.u32 v1, $0x10  }
0x2e: {  	v38 =	vand.u32 $0xFFFF, v2;
	v39 =	vshll.u32 v3, $0x10;
	v0 =	vor.u32 v0, v1  }
0x2f: {  	v41 =	vand.u32 $0xFFFF, v4;
	v42 =	vshll.u32 v5, $0x10;
	v40 =	vor.u32 v38, v39;
	[tilespmem:$0x100] =	vst v0  }
0x30: {  	v44 =	vand.u32 $0xFFFF, v6;
	v45 =	vshll.u32 v7, $0x10;
	v43 =	vor.u32 v41, v42;
	[tilespmem:$0x110] =	vst v40  }
0x31: {  	v1 =	vor.u32 v44, v45;
	[tilespmem:$0x120] =	vst v43;
	v0 =	vimm.s32 $0xC0  }
0x32: {  	s28 =	simm.s32 $0x1;
	[tilespmem:$0x130] =	vst v1  }
0x33: {  	_ =	swait.ge [sflag:s28], $0x800  }
0x34: {  	[sflag:s28] =	ssyncset.done $0x0  }
0x35: {  	[sflag:s28] =	ssyncadd.s32 $0xFFFFF800  }
0x36: {  	v46 =	vld.idx.msk [tilespmem:v0+s3+$0x0], $0xffff;
	_ =	sdelay $0x4  }
0x37: {  	v47 =	vlaneseq.u32;
	vm0 =	vgt.s32 v46, $0x0  }
0x38: {  	v3 =	vmul.u32 $0x20, v47;
	v2 =	vimm.s32 $0x40;
	v48 =	vnsel vm0, $0x0, v46  }
0x39: {  	v1 =	vimm.s32 $0x100;
	v4 =	vmin.u32 v48, $0x1F  }
0x3a: {  	v4 =	vor.u32 v3, v4;
	_ =	sdelay $0x2  }
0x3b: {  	v50 =	vld.idx.msk [tilespmem:v2+s24+$0x0], $0xffff  }
0x3c: {  	v49 =	vld.idx.msk [tilespmem:v1+s3+$0x0], $0xffff  }
0x3d: {  	v4 =	vld.idx.msk [tilespmem:v4+s20+$0x0], $0xffff;
	_ =	sdelay $0x4  }
0x3e: {  	v51 =	vshll.u32 v49, $0x10;
	vm5 =	vle.f32 v4, v50  }
0x3f: {  	v4 =	vsel vm5, v51, v49  }
0x40: {  	vm6 =	veq.s32 v49, $0xFFFFFFFF;
	v4 =	vshra.s32 v4, $0x10  }
0x41: {  	v4 =	vsel vm6, $0x0, v4  }
0x42: {  	v52 =	vadd.s32 $0xC0, v4;
	_ =	sdelay $0x4  }
0x43: {  	v5 =	vld.idx.msk [tilespmem:v52+s3+$0x0], $0xffff;
	_ =	sdelay $0x4  }
0x44: {  	vm7 =	vgt.s32 v5, $0x0  }
0x45: {  	v53 =	vadd.s32 $0x100, v4;
	v5 =	vnsel vm7, $0x0, v5  }
0x46: {  	v54 =	vadd.s32 $0x40, v4;
	v5 =	vmin.u32 v5, $0x1F  }
0x47: {  	v5 =	vor.u32 v3, v5;
	_ =	sdelay $0x2  }
0x48: {  	v6 =	vld.idx.msk [tilespmem:v53+s3+$0x0], $0xffff  }
0x49: {  	v7 =	vld.idx.msk [tilespmem:v54+s24+$0x0], $0xffff  }
0x4a: {  	v5 =	vld.idx.msk [tilespmem:v5+s20+$0x0], $0xffff;
	_ =	sdelay $0x4  }
0x4b: {  	v8 =	vshll.u32 v6, $0x10;
	vm8 =	vle.f32 v5, v7  }
0x4c: {  	v5 =	vsel vm8, v8, v6  }
0x4d: {  	vm9 =	veq.s32 v6, $0xFFFFFFFF;
	v5 =	vshra.s32 v5, $0x10  }
0x4e: {  	v4 =	vsel vm9, v4, v5  }
0x4f: {  	v5 =	vadd.s32 $0xC0, v4;
	_ =	sdelay $0x4  }
0x50: {  	v5 =	vld.idx.msk [tilespmem:v5+s3+$0x0], $0xffff;
	_ =	sdelay $0x4  }
0x51: {  	vm10 =	vgt.s32 v5, $0x0  }
0x52: {  	v55 =	vadd.s32 $0x100, v4;
	v5 =	vnsel vm10, $0x0, v5  }
0x53: {  	v56 =	vadd.s32 $0x40, v4;
	v5 =	vmin.u32 v5, $0x1F  }
0x54: {  	v5 =	vor.u32 v3, v5;
	_ =	sdelay $0x2  }
0x55: {  	v6 =	vld.idx.msk [tilespmem:v55+s3+$0x0], $0xffff  }
0x56: {  	v7 =	vld.idx.msk [tilespmem:v56+s24+$0x0], $0xffff  }
0x57: {  	v5 =	vld.idx.msk [tilespmem:v5+s20+$0x0], $0xffff;
	_ =	sdelay $0x4  }
0x58: {  	v57 =	vshll.u32 v6, $0x10;
	vm11 =	vle.f32 v5, v7  }
0x59: {  	v5 =	vsel vm11, v57, v6  }
0x5a: {  	vm12 =	veq.s32 v6, $0xFFFFFFFF;
	v5 =	vshra.s32 v5, $0x10  }
0x5b: {  	v4 =	vsel vm12, v4, v5  }
0x5c: {  	v5 =	vadd.s32 $0xC0, v4;
	_ =	sdelay $0x4  }
0x5d: {  	v5 =	vld.idx.msk [tilespmem:v5+s3+$0x0], $0xffff;
	_ =	sdelay $0x4  }
0x5e: {  	vm13 =	vgt.s32 v5, $0x0  }
0x5f: {  	v58 =	vadd.s32 $0x100, v4;
	v5 =	vnsel vm13, $0x0, v5  }
0x60: {  	v59 =	vadd.s32 $0x40, v4;
	v5 =	vmin.u32 v5, $0x1F  }
0x61: {  	v5 =	vor.u32 v3, v5;
	_ =	sdelay $0x2  }
0x62: {  	v6 =	vld.idx.msk [tilespmem:v58+s3+$0x0], $0xffff  }
0x63: {  	v7 =	vld.idx.msk [tilespmem:v59+s24+$0x0], $0xffff  }
0x64: {  	v5 =	vld.idx.msk [tilespmem:v5+s20+$0x0], $0xffff;
	_ =	sdelay $0x4  }
0x65: {  	v60 =	vshll.u32 v6, $0x10;
	vm14 =	vle.f32 v5, v7  }
0x66: {  	v5 =	vsel vm14, v60, v6  }
0x67: {  	vm15 =	veq.s32 v6, $0xFFFFFFFF;
	v5 =	vshra.s32 v5, $0x10  }
0x68: {  	v4 =	vsel vm15, v4, v5  }
0x69: {  	v5 =	vadd.s32 $0xC0, v4;
	_ =	sdelay $0x4  }
0x6a: {  	v5 =	vld.idx.msk [tilespmem:v5+s3+$0x0], $0xffff;
	_ =	sdelay $0x4  }
0x6b: {  	vm4 =	vgt.s32 v5, $0x0  }
0x6c: {  	v61 =	vadd.s32 $0x100, v4;
	v5 =	vnsel vm4, $0x0, v5  }
0x6d: {  	v62 =	vadd.s32 $0x40, v4;
	v5 =	vmin.u32 v5, $0x1F  }
0x6e: {  	v5 =	vor.u32 v3, v5;
	_ =	sdelay $0x2  }
0x6f: {  	v6 =	vld.idx.msk [tilespmem:v61+s3+$0x0], $0xffff  }
0x70: {  	v7 =	vld.idx.msk [tilespmem:v62+s24+$0x0], $0xffff  }
0x71: {  	v5 =	vld.idx.msk [tilespmem:v5+s20+$0x0], $0xffff;
	_ =	sdelay $0x4  }
0x72: {  	v63 =	vshll.u32 v6, $0x10;
	vm5 =	vle.f32 v5, v7  }
0x73: {  	v5 =	vsel vm5, v63, v6  }
0x74: {  	vm6 =	veq.s32 v6, $0xFFFFFFFF;
	v5 =	vshra.s32 v5, $0x10  }
0x75: {  	v4 =	vsel vm6, v4, v5;
	_ =	sdelay $0x4  }
0x76: {  	v4 =	vld.idx.msk [tilespmem:v4+s24+$0x0], $0xffff;
	_ =	sdelay $0x4  }
0x77: {  	[tilespmem:$0xA00] =	vst v4  }
0x78: {  	v4 =	vld.idx.msk [tilespmem:v0+s3+$0x0], $0xffff;
	_ =	sdelay $0x4  }
0x79: {  	vm7 =	vgt.s32 v4, $0x0  }
0x7a: {  	v4 =	vnsel vm7, $0x0, v4  }
0x7b: {  	v12 =	vor.u32 $0x200, v3;
	v4 =	vmin.u32 v4, $0x1F  }
0x7c: {  	v4 =	vor.u32 v12, v4;
	_ =	sdelay $0x2  }
0x7d: {  	v13 =	vld.idx.msk [tilespmem:v1+s3+$0x0], $0xffff  }
0x7e: {  	v14 =	vld.idx.msk [tilespmem:v2+s24+$0x0], $0xffff  }
0x7f: {  	v4 =	vld.idx.msk [tilespmem:v4+s20+$0x0], $0xffff;
	_ =	sdelay $0x4  }
0x80: {  	v15 =	vshll.u32 v13, $0x10;
	vm8 =	vle.f32 v4, v14  }
0x81: {  	v4 =	vsel vm8, v15, v13  }
0x82: {  	vm9 =	veq.s32 v13, $0xFFFFFFFF;
	v4 =	vshra.s32 v4, $0x10  }
0x83: {  	v4 =	vsel vm9, $0x0, v4  }
0x84: {  	v16 =	vadd.s32 $0xC0, v4;
	_ =	sdelay $0x4  }
0x85: {  	v6 =	vld.idx.msk [tilespmem:v16+s3+$0x0], $0xffff;
	_ =	sdelay $0x4  }
0x86: {  	vm10 =	vgt.s32 v6, $0x0  }
0x87: {  	v17 =	vadd.s32 $0x100, v4;
	v6 =	vnsel vm10, $0x0, v6  }
0x88: {  	v18 =	vadd.s32 $0x40, v4;
	v6 =	vmin.u32 v6, $0x1F  }
0x89: {  	v6 =	vor.u32 v12, v6;
	_ =	sdelay $0x2  }
0x8a: {  	v7 =	vld.idx.msk [tilespmem:v17+s3+$0x0], $0xffff  }
0x8b: {  	v8 =	vld.idx.msk [tilespmem:v18+s24+$0x0], $0xffff  }
0x8c: {  	v6 =	vld.idx.msk [tilespmem:v6+s20+$0x0], $0xffff;
	_ =	sdelay $0x4  }
0x8d: {  	v9 =	vshll.u32 v7, $0x10;
	vm11 =	vle.f32 v6, v8  }
0x8e: {  	v6 =	vsel vm11, v9, v7  }
0x8f: {  	vm12 =	veq.s32 v7, $0xFFFFFFFF;
	v6 =	vshra.s32 v6, $0x10  }
0x90: {  	v4 =	vsel vm12, v4, v6  }
0x91: {  	v6 =	vadd.s32 $0xC0, v4;
	_ =	sdelay $0x4  }
0x92: {  	v6 =	vld.idx.msk [tilespmem:v6+s3+$0x0], $0xffff;
	_ =	sdelay $0x4  }
0x93: {  	vm13 =	vgt.s32 v6, $0x0  }
0x94: {  	v19 =	vadd.s32 $0x100, v4;
	v6 =	vnsel vm13, $0x0, v6  }
0x95: {  	v20 =	vadd.s32 $0x40, v4;
	v6 =	vmin.u32 v6, $0x1F  }
0x96: {  	v6 =	vor.u32 v12, v6;
	_ =	sdelay $0x2  }
0x97: {  	v7 =	vld.idx.msk [tilespmem:v19+s3+$0x0], $0xffff  }
0x98: {  	v8 =	vld.idx.msk [tilespmem:v20+s24+$0x0], $0xffff  }
0x99: {  	v6 =	vld.idx.msk [tilespmem:v6+s20+$0x0], $0xffff;
	_ =	sdelay $0x4  }
0x9a: {  	v21 =	vshll.u32 v7, $0x10;
	vm14 =	vle.f32 v6, v8  }
0x9b: {  	v6 =	vsel vm14, v21, v7  }
0x9c: {  	vm15 =	veq.s32 v7, $0xFFFFFFFF;
	v6 =	vshra.s32 v6, $0x10  }
0x9d: {  	v4 =	vsel vm15, v4, v6  }
0x9e: {  	v6 =	vadd.s32 $0xC0, v4;
	_ =	sdelay $0x4  }
0x9f: {  	v6 =	vld.idx.msk [tilespmem:v6+s3+$0x0], $0xffff;
	_ =	sdelay $0x4  }
0xa0: {  	vm4 =	vgt.s32 v6, $0x0  }
0xa1: {  	v22 =	vadd.s32 $0x100, v4;
	v6 =	vnsel vm4, $0x0, v6  }
0xa2: {  	v23 =	vadd.s32 $0x40, v4;
	v6 =	vmin.u32 v6, $0x1F  }
0xa3: {  	v6 =	vor.u32 v12, v6;
	_ =	sdelay $0x2  }
0xa4: {  	v7 =	vld.idx.msk [tilespmem:v22+s3+$0x0], $0xffff  }
0xa5: {  	v8 =	vld.idx.msk [tilespmem:v23+s24+$0x0], $0xffff  }
0xa6: {  	v6 =	vld.idx.msk [tilespmem:v6+s20+$0x0], $0xffff;
	_ =	sdelay $0x4  }
0xa7: {  	v24 =	vshll.u32 v7, $0x10;
	vm5 =	vle.f32 v6, v8  }
0xa8: {  	v6 =	vsel vm5, v24, v7  }
0xa9: {  	vm6 =	veq.s32 v7, $0xFFFFFFFF;
	v6 =	vshra.s32 v6, $0x10  }
0xaa: {  	v4 =	vsel vm6, v4, v6  }
0xab: {  	v6 =	vadd.s32 $0xC0, v4;
	_ =	sdelay $0x4  }
0xac: {  	v6 =	vld.idx.msk [tilespmem:v6+s3+$0x0], $0xffff;
	_ =	sdelay $0x4  }
0xad: {  	vm7 =	vgt.s32 v6, $0x0  }
0xae: {  	v25 =	vadd.s32 $0x100, v4;
	v6 =	vnsel vm7, $0x0, v6  }
0xaf: {  	v26 =	vadd.s32 $0x40, v4;
	v6 =	vmin.u32 v6, $0x1F  }
0xb0: {  	v5 =	vor.u32 v12, v6;
	_ =	sdelay $0x2  }
0xb1: {  	v27 =	vld.idx.msk [tilespmem:v25+s3+$0x0], $0xffff  }
0xb2: {  	v28 =	vld.idx.msk [tilespmem:v26+s24+$0x0], $0xffff  }
0xb3: {  	v5 =	vld.idx.msk [tilespmem:v5+s20+$0x0], $0xffff;
	_ =	sdelay $0x4  }
0xb4: {  	v29 =	vshll.u32 v27, $0x10;
	vm8 =	vle.f32 v5, v28  }
0xb5: {  	v5 =	vsel vm8, v29, v27  }
0xb6: {  	vm9 =	veq.s32 v27, $0xFFFFFFFF;
	v5 =	vshra.s32 v5, $0x10  }
0xb7: {  	v4 =	vsel vm9, v4, v5;
	_ =	sdelay $0x4  }
0xb8: {  	v4 =	vld.idx.msk [tilespmem:v4+s24+$0x0], $0xffff;
	_ =	sdelay $0x4  }
0xb9: {  	[tilespmem:$0xA10] =	vst v4  }
0xba: {  	v4 =	vld.idx.msk [tilespmem:v0+s3+$0x0], $0xffff;
	_ =	sdelay $0x4  }
0xbb: {  	vm10 =	vgt.s32 v4, $0x0  }
0xbc: {  	v4 =	vnsel vm10, $0x0, v4  }
0xbd: {  	v30 =	vor.u32 $0x400, v3;
	v4 =	vmin.u32 v4, $0x1F  }
0xbe: {  	v4 =	vor.u32 v30, v4;
	_ =	sdelay $0x2  }
0xbf: {  	v31 =	vld.idx.msk [tilespmem:v1+s3+$0x0], $0xffff  }
0xc0: {  	v32 =	vld.idx.msk [tilespmem:v2+s24+$0x0], $0xffff  }
0xc1: {  	v4 =	vld.idx.msk [tilespmem:v4+s20+$0x0], $0xffff;
	_ =	sdelay $0x4  }
0xc2: {  	v33 =	vshll.u32 v31, $0x10;
	vm11 =	vle.f32 v4, v32  }
0xc3: {  	v4 =	vsel vm11, v33, v31  }
0xc4: {  	vm12 =	veq.s32 v31, $0xFFFFFFFF;
	v4 =	vshra.s32 v4, $0x10  }
0xc5: {  	v4 =	vsel vm12, $0x0, v4  }
0xc6: {  	v34 =	vadd.s32 $0xC0, v4;
	_ =	sdelay $0x4  }
0xc7: {  	v6 =	vld.idx.msk [tilespmem:v34+s3+$0x0], $0xffff;
	_ =	sdelay $0x4  }
0xc8: {  	vm13 =	vgt.s32 v6, $0x0  }
0xc9: {  	v35 =	vadd.s32 $0x100, v4;
	v6 =	vnsel vm13, $0x0, v6  }
0xca: {  	v36 =	vadd.s32 $0x40, v4;
	v6 =	vmin.u32 v6, $0x1F  }
0xcb: {  	v6 =	vor.u32 v30, v6;
	_ =	sdelay $0x2  }
0xcc: {  	v7 =	vld.idx.msk [tilespmem:v35+s3+$0x0], $0xffff  }
0xcd: {  	v8 =	vld.idx.msk [tilespmem:v36+s24+$0x0], $0xffff  }
0xce: {  	v6 =	vld.idx.msk [tilespmem:v6+s20+$0x0], $0xffff;
	_ =	sdelay $0x4  }
0xcf: {  	v37 =	vshll.u32 v7, $0x10;
	vm14 =	vle.f32 v6, v8  }
0xd0: {  	v6 =	vsel vm14, v37, v7  }
0xd1: {  	vm15 =	veq.s32 v7, $0xFFFFFFFF;
	v6 =	vshra.s32 v6, $0x10  }
0xd2: {  	v4 =	vsel vm15, v4, v6  }
0xd3: {  	v6 =	vadd.s32 $0xC0, v4;
	_ =	sdelay $0x4  }
0xd4: {  	v6 =	vld.idx.msk [tilespmem:v6+s3+$0x0], $0xffff;
	_ =	sdelay $0x4  }
0xd5: {  	vm4 =	vgt.s32 v6, $0x0  }
0xd6: {  	v38 =	vadd.s32 $0x100, v4;
	v6 =	vnsel vm4, $0x0, v6  }
0xd7: {  	v39 =	vadd.s32 $0x40, v4;
	v6 =	vmin.u32 v6, $0x1F  }
0xd8: {  	v6 =	vor.u32 v30, v6;
	_ =	sdelay $0x2  }
0xd9: {  	v7 =	vld.idx.msk [tilespmem:v38+s3+$0x0], $0xffff  }
0xda: {  	v8 =	vld.idx.msk [tilespmem:v39+s24+$0x0], $0xffff  }
0xdb: {  	v6 =	vld.idx.msk [tilespmem:v6+s20+$0x0], $0xffff;
	_ =	sdelay $0x4  }
0xdc: {  	v40 =	vshll.u32 v7, $0x10;
	vm5 =	vle.f32 v6, v8  }
0xdd: {  	v6 =	vsel vm5, v40, v7  }
0xde: {  	vm6 =	veq.s32 v7, $0xFFFFFFFF;
	v6 =	vshra.s32 v6, $0x10  }
0xdf: {  	v4 =	vsel vm6, v4, v6  }
0xe0: {  	v6 =	vadd.s32 $0xC0, v4;
	_ =	sdelay $0x4  }
0xe1: {  	v6 =	vld.idx.msk [tilespmem:v6+s3+$0x0], $0xffff;
	_ =	sdelay $0x4  }
0xe2: {  	vm7 =	vgt.s32 v6, $0x0  }
0xe3: {  	v41 =	vadd.s32 $0x100, v4;
	v6 =	vnsel vm7, $0x0, v6  }
0xe4: {  	v42 =	vadd.s32 $0x40, v4;
	v6 =	vmin.u32 v6, $0x1F  }
0xe5: {  	v6 =	vor.u32 v30, v6;
	_ =	sdelay $0x2  }
0xe6: {  	v7 =	vld.idx.msk [tilespmem:v41+s3+$0x0], $0xffff  }
0xe7: {  	v8 =	vld.idx.msk [tilespmem:v42+s24+$0x0], $0xffff  }
0xe8: {  	v6 =	vld.idx.msk [tilespmem:v6+s20+$0x0], $0xffff;
	_ =	sdelay $0x4  }
0xe9: {  	v43 =	vshll.u32 v7, $0x10;
	vm8 =	vle.f32 v6, v8  }
0xea: {  	v6 =	vsel vm8, v43, v7  }
0xeb: {  	vm9 =	veq.s32 v7, $0xFFFFFFFF;
	v6 =	vshra.s32 v6, $0x10  }
0xec: {  	v4 =	vsel vm9, v4, v6  }
0xed: {  	v6 =	vadd.s32 $0xC0, v4;
	_ =	sdelay $0x4  }
0xee: {  	v6 =	vld.idx.msk [tilespmem:v6+s3+$0x0], $0xffff;
	_ =	sdelay $0x4  }
0xef: {  	vm10 =	vgt.s32 v6, $0x0  }
0xf0: {  	v44 =	vadd.s32 $0x100, v4;
	v6 =	vnsel vm10, $0x0, v6  }
0xf1: {  	v45 =	vadd.s32 $0x40, v4;
	v6 =	vmin.u32 v6, $0x1F  }
0xf2: {  	v5 =	vor.u32 v30, v6;
	_ =	sdelay $0x2  }
0xf3: {  	v46 =	vld.idx.msk [tilespmem:v44+s3+$0x0], $0xffff  }
0xf4: {  	v47 =	vld.idx.msk [tilespmem:v45+s24+$0x0], $0xffff  }
0xf5: {  	v5 =	vld.idx.msk [tilespmem:v5+s20+$0x0], $0xffff;
	_ =	sdelay $0x4  }
0xf6: {  	v48 =	vshll.u32 v46, $0x10;
	vm11 =	vle.f32 v5, v47  }
0xf7: {  	v5 =	vsel vm11, v48, v46  }
0xf8: {  	vm12 =	veq.s32 v46, $0xFFFFFFFF;
	v5 =	vshra.s32 v5, $0x10  }
0xf9: {  	v4 =	vsel vm12, v4, v5;
	_ =	sdelay $0x4  }
0xfa: {  	v4 =	vld.idx.msk [tilespmem:v4+s24+$0x0], $0xffff;
	_ =	sdelay $0x4  }
0xfb: {  	[tilespmem:$0xA20] =	vst v4  }
0xfc: {  	v0 =	vld.idx.msk [tilespmem:v0+s3+$0x0], $0xffff;
	_ =	sdelay $0x4  }
0xfd: {  	vm13 =	vgt.s32 v0, $0x0  }
0xfe: {  	v0 =	vnsel vm13, $0x0, v0  }
0xff: {  	v3 =	vor.u32 $0x600, v3;
	v0 =	vmin.u32 v0, $0x1F  }
0x100: {  	v0 =	vor.u32 v3, v0;
	_ =	sdelay $0x2  }
0x101: {  	v1 =	vld.idx.msk [tilespmem:v1+s3+$0x0], $0xffff  }
0x102: {  	v2 =	vld.idx.msk [tilespmem:v2+s24+$0x0], $0xffff  }
0x103: {  	v0 =	vld.idx.msk [tilespmem:v0+s20+$0x0], $0xffff;
	_ =	sdelay $0x4  }
0x104: {  	v49 =	vshll.u32 v1, $0x10;
	vm14 =	vle.f32 v0, v2  }
0x105: {  	v0 =	vsel vm14, v49, v1  }
0x106: {  	vm15 =	veq.s32 v1, $0xFFFFFFFF;
	v0 =	vshra.s32 v0, $0x10  }
0x107: {  	v0 =	vsel vm15, $0x0, v0  }
0x108: {  	v50 =	vadd.s32 $0xC0, v0;
	_ =	sdelay $0x4  }
0x109: {  	v1 =	vld.idx.msk [tilespmem:v50+s3+$0x0], $0xffff;
	_ =	sdelay $0x4  }
0x10a: {  	vm4 =	vgt.s32 v1, $0x0  }
0x10b: {  	v51 =	vadd.s32 $0x100, v0;
	v1 =	vnsel vm4, $0x0, v1  }
0x10c: {  	v52 =	vadd.s32 $0x40, v0;
	v1 =	vmin.u32 v1, $0x1F  }
0x10d: {  	v1 =	vor.u32 v3, v1;
	_ =	sdelay $0x2  }
0x10e: {  	v2 =	vld.idx.msk [tilespmem:v51+s3+$0x0], $0xffff  }
0x10f: {  	v4 =	vld.idx.msk [tilespmem:v52+s24+$0x0], $0xffff  }
0x110: {  	v1 =	vld.idx.msk [tilespmem:v1+s20+$0x0], $0xffff;
	_ =	sdelay $0x4  }
0x111: {  	v53 =	vshll.u32 v2, $0x10;
	vm5 =	vle.f32 v1, v4  }
0x112: {  	v1 =	vsel vm5, v53, v2  }
0x113: {  	vm6 =	veq.s32 v2, $0xFFFFFFFF;
	v1 =	vshra.s32 v1, $0x10  }
0x114: {  	v0 =	vsel vm6, v0, v1  }
0x115: {  	v1 =	vadd.s32 $0xC0, v0;
	_ =	sdelay $0x4  }
0x116: {  	v1 =	vld.idx.msk [tilespmem:v1+s3+$0x0], $0xffff;
	_ =	sdelay $0x4  }
0x117: {  	vm7 =	vgt.s32 v1, $0x0  }
0x118: {  	v54 =	vadd.s32 $0x100, v0;
	v1 =	vnsel vm7, $0x0, v1  }
0x119: {  	v55 =	vadd.s32 $0x40, v0;
	v1 =	vmin.u32 v1, $0x1F  }
0x11a: {  	v1 =	vor.u32 v3, v1;
	_ =	sdelay $0x2  }
0x11b: {  	v2 =	vld.idx.msk [tilespmem:v54+s3+$0x0], $0xffff  }
0x11c: {  	v4 =	vld.idx.msk [tilespmem:v55+s24+$0x0], $0xffff  }
0x11d: {  	v1 =	vld.idx.msk [tilespmem:v1+s20+$0x0], $0xffff;
	_ =	sdelay $0x4  }
0x11e: {  	v56 =	vshll.u32 v2, $0x10;
	vm8 =	vle.f32 v1, v4  }
0x11f: {  	v1 =	vsel vm8, v56, v2  }
0x120: {  	vm9 =	veq.s32 v2, $0xFFFFFFFF;
	v1 =	vshra.s32 v1, $0x10  }
0x121: {  	v0 =	vsel vm9, v0, v1  }
0x122: {  	v1 =	vadd.s32 $0xC0, v0;
	_ =	sdelay $0x4  }
0x123: {  	v1 =	vld.idx.msk [tilespmem:v1+s3+$0x0], $0xffff;
	_ =	sdelay $0x4  }
0x124: {  	vm10 =	vgt.s32 v1, $0x0  }
0x125: {  	v57 =	vadd.s32 $0x100, v0;
	v1 =	vnsel vm10, $0x0, v1  }
0x126: {  	v58 =	vadd.s32 $0x40, v0;
	v1 =	vmin.u32 v1, $0x1F  }
0x127: {  	v1 =	vor.u32 v3, v1;
	_ =	sdelay $0x2  }
0x128: {  	v2 =	vld.idx.msk [tilespmem:v57+s3+$0x0], $0xffff  }
0x129: {  	v4 =	vld.idx.msk [tilespmem:v58+s24+$0x0], $0xffff  }
0x12a: {  	v1 =	vld.idx.msk [tilespmem:v1+s20+$0x0], $0xffff;
	_ =	sdelay $0x4  }
0x12b: {  	v59 =	vshll.u32 v2, $0x10;
	vm11 =	vle.f32 v1, v4  }
0x12c: {  	v1 =	vsel vm11, v59, v2  }
0x12d: {  	vm12 =	veq.s32 v2, $0xFFFFFFFF;
	v1 =	vshra.s32 v1, $0x10  }
0x12e: {  	v0 =	vsel vm12, v0, v1  }
0x12f: {  	v1 =	vadd.s32 $0xC0, v0;
	_ =	sdelay $0x4  }
0x130: {  	v1 =	vld.idx.msk [tilespmem:v1+s3+$0x0], $0xffff;
	_ =	sdelay $0x4  }
0x131: {  	vm13 =	vgt.s32 v1, $0x0  }
0x132: {  	v60 =	vadd.s32 $0x100, v0;
	v1 =	vnsel vm13, $0x0, v1  }
0x133: {  	v61 =	vadd.s32 $0x40, v0;
	v1 =	vmin.u32 v1, $0x1F  }
0x134: {  	v1 =	vor.u32 v3, v1;
	_ =	sdelay $0x2  }
0x135: {  	v2 =	vld.idx.msk [tilespmem:v60+s3+$0x0], $0xffff  }
0x136: {  	v62 =	vld.idx.msk [tilespmem:v61+s24+$0x0], $0xffff  }
0x137: {  	v1 =	vld.idx.msk [tilespmem:v1+s20+$0x0], $0xffff;
	_ =	sdelay $0x4  }
0x138: {  	v63 =	vshll.u32 v2, $0x10;
	vm14 =	vle.f32 v1, v62  }
0x139: {  	v1 =	vsel vm14, v63, v2  }
0x13a: {  	vm15 =	veq.s32 v2, $0xFFFFFFFF;
	v1 =	vshra.s32 v1, $0x10  }
0x13b: {  	v0 =	vsel vm15, v0, v1;
	_ =	sdelay $0x4  }
0x13c: {  	v0 =	vld.idx.msk [tilespmem:v0+s24+$0x0], $0xffff;
	_ =	sdelay $0x3  }
0x13d: {  	s29 =	sshll.u32 s1, $0x3  }
0x13e: {  	s30 =	simm.s32 $0xA00;
	s31 =	simm.s32 $0x3;
	s2 =	sadd.s32 s2, s29;
	[tilespmem:$0xA30] =	vst v0  }
0x13f: {  	[hbm4b:s2+s3] =	stream.linear.scatter [tilespmem:s30], [sflag:$0x3], $0x40, $0x38;
	[tilespmem:$0xA80] =	vst v63  }
0x140: {  	_ =	swait.ge [sflag:s31], $0x40  }
0x141: {  	[sflag:s31] =	ssyncset.done $0x0  }
0x142: {  	[sflag:s31] =	ssyncadd.s32 $0xFFFFFFC0  }
0x143: {  	_ =	sfence.sel $0x180000  }
0x144: {  	[bflag:$0x0] =	sbarrier.arrive $0xFFFF  }
0x145: {  	p0 =	sne.s32 s1, $0x0;
	_ =	strace $0x90000047  }
0x146: {  	s0 =	sadd.s32 @!p0 $0x100000, s0;
	[bflag:$0x2] =	sbarrier.arrive $0xFFFF  }
0x147: {  	[sflag:s0] =	ssyncadd.tile.s32 @!p0 $0x1;
	_ =	shalt  }
.Lfunc_end2:
_tile_overlayer_lowered:
.L_overlay_start_2:
0x148: {  	(tag) =	ssettag $0x2  }
0x149: {  	s0 =	rddreg [dreg:$0x0];
	s2 =	stileid.u32  }
0x14a: {  	s1 =	rddreg [dreg:$0x1];
	p0 =	sne.s32 s2, $0x0  }
0x14b: {  	s3 =	rddreg [dreg:$0x2];
	[bflag:$0x3] =	sbarrier.arrive $0xFFFF;
	s2 =	simm.s32 @!p0 $0x1C03  }
0x14c: {  	[timem:s3], [sflag:s2] =	dma.local @!p0 [hbm:s0], s1  }
0x14d: {  	s0 =	simm.s32 @!p0 $0x3  }
0x14e: {  	_ =	swait.ge @!p0 [sflag:s0], s1  }
0x14f: {  	s1 =	ssub.s32 @!p0 $0x0, s1;
	[sflag:s0] =	ssyncset.done @!p0 $0x0  }
0x150: {  	[sflag:s0] =	ssyncadd.s32 @!p0 s1  }
0x151: {  	[bflag:$0x3] =	sbarrier.arrive $0xFFFF  }
0x152: {  	_ =	shalt  }

</sc_bundles>
